<compile_context>
chip_gen: v7x
topology: tpu7x:2x2x1
jax: 0.10.2.dev20260603
libtpu: 0.0.44.dev20260713+nightly
codegen_flags: <defaults>
</compile_context>

<pallas_src>
import jax
import jax.numpy as jnp
from jax import lax
from jax.experimental import pallas as pl
from jax.experimental.pallas import tpu as pltpu
from jax.experimental.pallas import tpu_sc as plsc


_C = 64


def _sc_body(x_hbm, nl_hbm, out_hbm, buf0, buf1, zbuf, nl_v, sem_g, sem_s, sem_z):
    H, twoB, D = x_hbm.shape
    B = twoB // 2
    C = _C
    nch = H // C

    c = lax.axis_index("c")
    s = lax.axis_index("s")
    b = s
    h = c
    src_col = h * B + b
    dst_col = b * 2 + h

    pltpu.sync_copy(nl_hbm, nl_v)
    nl = nl_v[pl.ds(b, 16)][0]
    kz = (nl + C - 1) // C

    zeros16 = jnp.zeros((16,), jnp.float32)
    nlanes = D // 16

    def zstore(ref, i):
        ref[i // nlanes, pl.ds((i % nlanes) * 16, 16)] = zeros16

    def zinit(i, carry):
        zstore(zbuf, i)
        return carry

    lax.fori_loop(0, C * nlanes, zinit, 0)

    def gather_cp(t0, buf):
        return pltpu.make_async_copy(
            x_hbm.at[pl.ds(t0, C), src_col, :], buf, sem_g
        )

    def scatter_cp(src, t0, sem):
        return pltpu.make_async_copy(
            src, out_hbm.at[pl.ds(t0, C), dst_col, :], sem
        )

    def zfire(k, carry):
        scatter_cp(zbuf, k * C, sem_z).start()
        return carry

    lax.fori_loop(kz, nch, zfire, 0)

    def per_buf(k, fn):
        @pl.when(k % 2 == 0)
        def _():
            fn(buf0)

        @pl.when(k % 2 == 1)
        def _():
            fn(buf1)

    @pl.when(kz > 0)
    def _():
        gather_cp(0, buf0).start()

    def step(k, carry):
        t0 = k * C
        gather_cp(t0, buf0).wait()

        @pl.when(k + 1 < kz)
        def _():
            per_buf(k + 1, lambda bf: gather_cp(t0 + C, bf).start())

        @pl.when(t0 + C > nl)
        def _():
            def ztail(i, carry):
                per_buf(k, lambda bf: zstore(bf, i))
                return carry

            lax.fori_loop((nl - t0) * nlanes, C * nlanes, ztail, 0)

        per_buf(k, lambda bf: scatter_cp(bf, t0, sem_s).start())
        per_buf(k, lambda bf: scatter_cp(bf, t0, sem_s).wait())
        return carry

    lax.fori_loop(0, kz, step, 0)

    def zdrain(k, carry):
        scatter_cp(zbuf, k * C, sem_z).wait()
        return carry

    lax.fori_loop(kz, nch, zdrain, 0)


def kernel(data, lengths):
    T, B, D = data.shape
    T2 = T - (T % 2)
    H = T2 // 2
    newlens = (lengths // 2).astype(jnp.int32)
    nl_padded = jnp.concatenate([newlens, jnp.zeros((B,), jnp.int32)])
    x = data[:T2].reshape(H, 2 * B, D)

    sc_call = pl.kernel(
        _sc_body,
        out_type=jax.ShapeDtypeStruct((H, 2 * B, D), data.dtype),
        mesh=plsc.VectorSubcoreMesh(core_axis_name="c", subcore_axis_name="s"),
        scratch_types=[
            pltpu.VMEM((_C, D), jnp.float32),
            pltpu.VMEM((_C, D), jnp.float32),
            pltpu.VMEM((_C, D), jnp.float32),
            pltpu.VMEM((2 * B,), jnp.int32),
            pltpu.SemaphoreType.DMA,
            pltpu.SemaphoreType.DMA,
            pltpu.SemaphoreType.DMA,
        ],
    )
    out = sc_call(x, nl_padded)
    return out.reshape(H, B, 2 * D), newlens

# --- scband reference (transcript-rebuilt; emitter-appended) ---
"""Pipeline reference for scband-sequence-shuffle-9139690406355 (READ-ONLY COPY).

The authoritative reference and input builder live on the scoring server;
editing this copy changes nothing except your own understanding.
"""

import jax, jax.numpy as jnp
import numpy as np


def setup_inputs(seed: int = 0) -> dict:
    key = jax.random.key(seed)
    k1, k2 = jax.random.split(key)
    T, B, D = 2048, 16, 512
    data = jax.random.normal(k1, (T, B, D), dtype=jnp.float32)
    # lengths sorted descending (pack_padded_sequence requirement), values in [1, T]
    lengths = jnp.sort(jax.random.randint(k2, (B,), 1, T + 1))[::-1].astype(jnp.int32)
    # pad_packed_sequence semantics: positions t >= lengths[b] are zero
    t = jnp.arange(T)[:, None]
    mask = (t < lengths[None, :]).astype(jnp.float32)
    data = data * mask[:, :, None]
    return {"data": data, "lengths": lengths}


def reference(data, lengths):
    # data: [T, B, D] time-major padded representation of the PackedSequence
    T, B, D = data.shape
    padded = jnp.transpose(data, (1, 0, 2))  # [B, T, D]
    T2 = T - (T % 2)
    padded = padded[:, :T2, :]
    padded = padded.reshape(B, T2 // 2, 2 * D)  # merge adjacent timestep pairs into features
    padded = jnp.transpose(padded, (1, 0, 2))  # [T2//2, B, 2D]
    newlens = lengths // 2
    # pack_padded_sequence semantics: zero out (drop) positions beyond newlens
    t = jnp.arange(T2 // 2)[:, None]
    mask = (t < newlens[None, :]).astype(padded.dtype)
    out = padded * mask[:, :, None]
    return out, newlens

if __name__ == "__main__":
    import jax
    _d = setup_inputs()
    print(jax.jit(kernel)(*tuple(_d.values())))

</pallas_src>

<mosaic_0001>
#map = affine_map<(d0, d1) -> (0, 0, 0)>
#map1 = affine_map<(d0, d1) -> (0)>
module attributes {stable_mosaic.version = 14 : i64} {
  func.func @_sc_body(%arg0: i32, %arg1: i32, %arg2: memref<1024x32x512xf32, #tpu.memory_space<hbm>>, %arg3: memref<32xi32, #tpu.memory_space<hbm>>, %arg4: memref<1024x32x512xf32, #tpu.memory_space<hbm>>, %arg5: memref<64x512xf32, #tpu.memory_space<vmem>>, %arg6: memref<64x512xf32, #tpu.memory_space<vmem>>, %arg7: memref<64x512xf32, #tpu.memory_space<vmem>>, %arg8: memref<32xi32, #tpu.memory_space<vmem>>, %arg9: memref<!tpu.dma_semaphore, #tpu.memory_space<semaphore_mem>>, %arg10: memref<!tpu.dma_semaphore, #tpu.memory_space<semaphore_mem>>, %arg11: memref<!tpu.dma_semaphore, #tpu.memory_space<semaphore_mem>>) attributes {dimension_semantics = [#tpu.dimension_semantics<core_parallel>, #tpu.dimension_semantics<subcore_parallel>], iteration_bounds = array<i64: 2, 16>, scalar_prefetch = 0 : i64, scratch_operands = 7 : i64, tpu.core_type = #tpu.core_type<sc_vector_subcore>, window_params = [{transform_indices = #map}, {transform_indices = #map1}, {transform_indices = #map}]} {
    %mul3A = arith.constant 16 : i32
    %mul3A_0 = arith.muli %arg0, %mul3A : i32
    %add3A = arith.addi %mul3A_0, %arg1 : i32
    %mul3A_1 = arith.constant 2 : i32
    %mul3A_2 = arith.muli %arg1, %mul3A_1 : i32
    %add3A_3 = arith.addi %mul3A_2, %arg0 : i32
    "tpu.region"() ({
      %run_scoped3A = tpu.sem_alloc : memref<!tpu.dma_semaphore, #tpu.memory_space<semaphore_mem>>
      tpu.enqueue_dma source(%arg3 : memref<32xi32, #tpu.memory_space<hbm>>) target(%arg8 : memref<32xi32, #tpu.memory_space<vmem>>) target_semaphore(%run_scoped3A : memref<!tpu.dma_semaphore, #tpu.memory_space<semaphore_mem>>)
      tpu.wait_dma2 semaphore(%run_scoped3A : memref<!tpu.dma_semaphore, #tpu.memory_space<semaphore_mem>>) src(%arg3 : memref<32xi32, #tpu.memory_space<hbm>>) dst(%arg8 : memref<32xi32, #tpu.memory_space<vmem>>)
      tpu.yield
    }) : () -> ()
    %get3A = arith.index_cast %arg1 : i32 to index
    %get3A_4 = tpu.vector_load %arg8[%get3A] {strides = array<i32>} : memref<32xi32, #tpu.memory_space<vmem>>, vector<16xi32>,
    %get3A_5 = vector.shape_cast %get3A_4 : vector<16xi32> to vector<16xi32>
    %slice3A = vector.extract_strided_slice %get3A_5 {offsets = [0], sizes = [1], strides = [1]} : vector<16xi32> to vector<1xi32>
    %squeeze3A = vector.extract %slice3A[0] : i32 from vector<1xi32>
    %add3A_6 = arith.constant 64 : i32
    %add3A_7 = arith.addi %squeeze3A, %add3A_6 : i32
    %sub3A = arith.constant 1 : i32
    %sub3A_8 = arith.subi %add3A_7, %sub3A : i32
    %jit3A = arith.constant 64 : i32
    %div3A = arith.divsi %sub3A_8, %jit3A : i32
    %sign3A = arith.constant 0 : i32
    %sign3A_9 = arith.cmpi sgt, %sub3A_8, %sign3A : i32
    %sign3A_10 = arith.extui %sign3A_9 : i1 to i32
    %sign3A_11 = arith.constant 0 : i32
    %sign3A_12 = arith.cmpi slt, %sub3A_8, %sign3A_11 : i32
    %sign3A_13 = arith.extui %sign3A_12 : i1 to i32
    %sign3A_14 = arith.subi %sign3A_10, %sign3A_13 : i32
    %sign3A_15 = arith.constant 0 : i32
    %sign3A_16 = arith.cmpi sgt, %jit3A, %sign3A_15 : i32
    %sign3A_17 = arith.extui %sign3A_16 : i1 to i32
    %sign3A_18 = arith.constant 0 : i32
    %sign3A_19 = arith.cmpi slt, %jit3A, %sign3A_18 : i32
    %sign3A_20 = arith.extui %sign3A_19 : i1 to i32
    %sign3A_21 = arith.subi %sign3A_17, %sign3A_20 : i32
    %ne3A = arith.cmpi ne, %sign3A_14, %sign3A_21 : i32
    %rem3A = arith.remsi %sub3A_8, %jit3A : i32
    %ne3A_22 = arith.constant 0 : i32
    %ne3A_23 = arith.cmpi ne, %rem3A, %ne3A_22 : i32
    %and3A = arith.andi %ne3A, %ne3A_23 : i1
    %sub3A_24 = arith.constant 1 : i32
    %sub3A_25 = arith.subi %div3A, %sub3A_24 : i32
    %select_n3A = arith.select %and3A, %sub3A_25, %div3A : i32
    %broadcast_in_dim3A = arith.constant 0.000000e+00 : f32
    %broadcast_in_dim3A_26 = vector.broadcast %broadcast_in_dim3A : f32 to vector<16xf32>
    %scan3A = arith.constant 0 : i32
    %scan3A_27 = arith.constant 0 : i32
    %scan3A_28 = arith.constant 2048 : i32
    %scan3A_29 = arith.addi %scan3A_27, %scan3A_28 : i32
    %scan3A_30 = arith.constant 1 : i32
    scf.for %scan3A_63 = %scan3A_27 to %scan3A_29 step %scan3A_30  : i32 {
      %jit3A_64 = arith.constant 32 : i32
      %div3A_65 = arith.divsi %scan3A_63, %jit3A_64 : i32
      %sign3A_66 = arith.constant 0 : i32
      %sign3A_67 = arith.cmpi sgt, %scan3A_63, %sign3A_66 : i32
      %sign3A_68 = arith.extui %sign3A_67 : i1 to i32
      %sign3A_69 = arith.constant 0 : i32
      %sign3A_70 = arith.cmpi slt, %scan3A_63, %sign3A_69 : i32
      %sign3A_71 = arith.extui %sign3A_70 : i1 to i32
      %sign3A_72 = arith.subi %sign3A_68, %sign3A_71 : i32
      %sign3A_73 = arith.constant 0 : i32
      %sign3A_74 = arith.cmpi sgt, %jit3A_64, %sign3A_73 : i32
      %sign3A_75 = arith.extui %sign3A_74 : i1 to i32
      %sign3A_76 = arith.constant 0 : i32
      %sign3A_77 = arith.cmpi slt, %jit3A_64, %sign3A_76 : i32
      %sign3A_78 = arith.extui %sign3A_77 : i1 to i32
      %sign3A_79 = arith.subi %sign3A_75, %sign3A_78 : i32
      %ne3A_80 = arith.cmpi ne, %sign3A_72, %sign3A_79 : i32
      %rem3A_81 = arith.remsi %scan3A_63, %jit3A_64 : i32
      %ne3A_82 = arith.constant 0 : i32
      %ne3A_83 = arith.cmpi ne, %rem3A_81, %ne3A_82 : i32
      %and3A_84 = arith.andi %ne3A_80, %ne3A_83 : i1
      %sub3A_85 = arith.constant 1 : i32
      %sub3A_86 = arith.subi %div3A_65, %sub3A_85 : i32
      %select_n3A_87 = arith.select %and3A_84, %sub3A_86, %div3A_65 : i32
      %jit3A_88 = arith.constant 32 : i32
      %eq3A = arith.constant 0 : i32
      %eq3A_89 = arith.cmpi eq, %jit3A_88, %eq3A : i32
      %jit3A_90 = arith.constant 1 : i32
      %select_n3A_91 = arith.select %eq3A_89, %jit3A_90, %jit3A_88 : i32
      %rem3A_92 = arith.remsi %scan3A_63, %select_n3A_91 : i32
      %ne3A_93 = arith.constant 0 : i32
      %ne3A_94 = arith.cmpi ne, %rem3A_92, %ne3A_93 : i32
      %lt3A = arith.constant 0 : i32
      %lt3A_95 = arith.cmpi slt, %rem3A_92, %lt3A : i32
      %lt3A_96 = arith.constant 0 : i32
      %lt3A_97 = arith.cmpi slt, %select_n3A_91, %lt3A_96 : i32
      %ne3A_98 = arith.xori %lt3A_95, %lt3A_97 : i1
      %and3A_99 = arith.andi %ne3A_98, %ne3A_94 : i1
      %add3A_100 = arith.addi %rem3A_92, %select_n3A_91 : i32
      %select_n3A_101 = arith.select %and3A_99, %add3A_100, %rem3A_92 : i32
      %mul3A_102 = arith.constant 16 : i32
      %mul3A_103 = arith.muli %select_n3A_101, %mul3A_102 : i32
      %swap3A = arith.index_cast %select_n3A_87 : i32 to index
      %swap3A_104 = arith.index_cast %mul3A_103 : i32 to index
      %swap3A_105 = tpu.vector_load %arg7[%swap3A, %swap3A_104] {strides = array<i32>} : memref<64x512xf32, #tpu.memory_space<vmem>>, vector<1x16xf32>,
      %swap3A_106 = vector.shape_cast %swap3A_105 : vector<1x16xf32> to vector<16xf32>
      %swap3A_107 = vector.shape_cast %broadcast_in_dim3A_26 : vector<16xf32> to vector<1x16xf32>
      tpu.vector_store %arg7[%swap3A, %swap3A_104], %swap3A_107 {strides = array<i32>} : memref<64x512xf32, #tpu.memory_space<vmem>>, vector<1x16xf32>,
    }
    %scan3A_31 = arith.constant 2048 : i32
    %while3A = arith.constant 0 : i32
    %while3A_32 = arith.constant 16 : i32
    %while3A_33 = arith.subi %while3A_32, %select_n3A : i32
    %while3A_34 = arith.addi %select_n3A, %while3A_33 : i32
    %while3A_35 = arith.constant 1 : i32
    %while3A_36 = arith.divsi %while3A_33, %while3A_35 : i32
    %while3A_37 = arith.muli %while3A_36, %while3A_35 : i32
    %while3A_38 = arith.addi %select_n3A, %while3A_37 : i32
    %while3A_39 = arith.constant 1 : i32
    scf.for %while3A_63 = %select_n3A to %while3A_38 step %while3A_39  : i32 {
      %mul3A_64 = arith.constant 64 : i32
      %mul3A_65 = arith.muli %while3A_63, %mul3A_64 : i32
      %dma_start3A = arith.constant 0 : i32
      %dma_start3A_66 = tpu.memref_slice %arg4[%mul3A_65, %add3A_3, %dma_start3A] : memref<1024x32x512xf32, #tpu.memory_space<hbm>> -> memref<64x1x512xf32, #tpu.memory_space<hbm>>
      %dma_start3A_67 = tpu.memref_squeeze %dma_start3A_66 : memref<64x1x512xf32, #tpu.memory_space<hbm>> -> memref<64x512xf32, #tpu.memory_space<hbm>>
      %dma_start3A_68 = arith.constant 0 : i32
      %dma_start3A_69 = tpu.memref_slice %arg4[%mul3A_65, %add3A_3, %dma_start3A_68] : memref<1024x32x512xf32, #tpu.memory_space<hbm>> -> memref<64x1x512xf32, #tpu.memory_space<hbm>>
      %dma_start3A_70 = tpu.memref_squeeze %dma_start3A_69 : memref<64x1x512xf32, #tpu.memory_space<hbm>> -> memref<64x512xf32, #tpu.memory_space<hbm>>
      tpu.enqueue_dma source(%arg7 : memref<64x512xf32, #tpu.memory_space<vmem>>) target(%dma_start3A_70 : memref<64x512xf32, #tpu.memory_space<hbm>>) target_semaphore(%arg11 : memref<!tpu.dma_semaphore, #tpu.memory_space<semaphore_mem>>)
    }
    %while3A_40 = arith.constant 1 : i32
    scf.for %while3A_63 = %while3A_38 to %while3A_34 step %while3A_40  : i32 {
      %mul3A_64 = arith.constant 64 : i32
      %mul3A_65 = arith.muli %while3A_63, %mul3A_64 : i32
      %dma_start3A = arith.constant 0 : i32
      %dma_start3A_66 = tpu.memref_slice %arg4[%mul3A_65, %add3A_3, %dma_start3A] : memref<1024x32x512xf32, #tpu.memory_space<hbm>> -> memref<64x1x512xf32, #tpu.memory_space<hbm>>
      %dma_start3A_67 = tpu.memref_squeeze %dma_start3A_66 : memref<64x1x512xf32, #tpu.memory_space<hbm>> -> memref<64x512xf32, #tpu.memory_space<hbm>>
      %dma_start3A_68 = arith.constant 0 : i32
      %dma_start3A_69 = tpu.memref_slice %arg4[%mul3A_65, %add3A_3, %dma_start3A_68] : memref<1024x32x512xf32, #tpu.memory_space<hbm>> -> memref<64x1x512xf32, #tpu.memory_space<hbm>>
      %dma_start3A_70 = tpu.memref_squeeze %dma_start3A_69 : memref<64x1x512xf32, #tpu.memory_space<hbm>> -> memref<64x512xf32, #tpu.memory_space<hbm>>
      tpu.enqueue_dma source(%arg7 : memref<64x512xf32, #tpu.memory_space<vmem>>) target(%dma_start3A_70 : memref<64x512xf32, #tpu.memory_space<hbm>>) target_semaphore(%arg11 : memref<!tpu.dma_semaphore, #tpu.memory_space<semaphore_mem>>)
    }
    %gt3A = arith.constant 0 : i32
    %gt3A_41 = arith.cmpi sgt, %select_n3A, %gt3A : i32
    %convert_element_type3A = arith.extui %gt3A_41 : i1 to i32
    %cond3A = arith.constant 0 : i32
    %cond3A_42 = arith.cmpi ne, %convert_element_type3A, %cond3A : i32
    scf.if %cond3A_42 {
      %dma_start3A = arith.constant 0 : i32
      %dma_start3A_63 = arith.constant 0 : i32
      %dma_start3A_64 = tpu.memref_slice %arg2[%dma_start3A, %add3A, %dma_start3A_63] : memref<1024x32x512xf32, #tpu.memory_space<hbm>> -> memref<64x1x512xf32, #tpu.memory_space<hbm>>
      %dma_start3A_65 = tpu.memref_squeeze %dma_start3A_64 : memref<64x1x512xf32, #tpu.memory_space<hbm>> -> memref<64x512xf32, #tpu.memory_space<hbm>>
      %dma_start3A_66 = arith.constant 0 : i32
      %dma_start3A_67 = arith.constant 0 : i32
      %dma_start3A_68 = tpu.memref_slice %arg2[%dma_start3A_66, %add3A, %dma_start3A_67] : memref<1024x32x512xf32, #tpu.memory_space<hbm>> -> memref<64x1x512xf32, #tpu.memory_space<hbm>>
      %dma_start3A_69 = tpu.memref_squeeze %dma_start3A_68 : memref<64x1x512xf32, #tpu.memory_space<hbm>> -> memref<64x512xf32, #tpu.memory_space<hbm>>
      tpu.enqueue_dma source(%dma_start3A_69 : memref<64x512xf32, #tpu.memory_space<hbm>>) target(%arg5 : memref<64x512xf32, #tpu.memory_space<vmem>>) target_semaphore(%arg9 : memref<!tpu.dma_semaphore, #tpu.memory_space<semaphore_mem>>)
    } else {
    }
    %while3A_43 = arith.constant 0 : i32
    %while3A_44 = arith.constant 0 : i32
    %while3A_45 = arith.subi %select_n3A, %while3A_44 : i32
    %while3A_46 = arith.addi %while3A_44, %while3A_45 : i32
    %while3A_47 = arith.constant 1 : i32
    %while3A_48 = arith.divsi %while3A_45, %while3A_47 : i32
    %while3A_49 = arith.muli %while3A_48, %while3A_47 : i32
    %while3A_50 = arith.addi %while3A_44, %while3A_49 : i32
    %while3A_51 = arith.constant 1 : i32
    scf.for %while3A_63 = %while3A_44 to %while3A_50 step %while3A_51  : i32 {
      %mul3A_64 = arith.constant 64 : i32
      %mul3A_65 = arith.muli %while3A_63, %mul3A_64 : i32
      %dma_wait3A = arith.constant 0 : i32
      %dma_wait3A_66 = tpu.memref_slice %arg2[%mul3A_65, %add3A, %dma_wait3A] : memref<1024x32x512xf32, #tpu.memory_space<hbm>> -> memref<64x1x512xf32, #tpu.memory_space<hbm>>
      %dma_wait3A_67 = tpu.memref_squeeze %dma_wait3A_66 : memref<64x1x512xf32, #tpu.memory_space<hbm>> -> memref<64x512xf32, #tpu.memory_space<hbm>>
      %dma_wait3A_68 = arith.constant 0 : i32
      %dma_wait3A_69 = tpu.memref_slice %arg2[%mul3A_65, %add3A, %dma_wait3A_68] : memref<1024x32x512xf32, #tpu.memory_space<hbm>> -> memref<64x1x512xf32, #tpu.memory_space<hbm>>
      %dma_wait3A_70 = tpu.memref_squeeze %dma_wait3A_69 : memref<64x1x512xf32, #tpu.memory_space<hbm>> -> memref<64x512xf32, #tpu.memory_space<hbm>>
      tpu.wait_dma2 semaphore(%arg9 : memref<!tpu.dma_semaphore, #tpu.memory_space<semaphore_mem>>) src(%dma_wait3A_70 : memref<64x512xf32, #tpu.memory_space<hbm>>) dst(%arg5 : memref<64x512xf32, #tpu.memory_space<vmem>>)
      %add3A_71 = arith.constant 1 : i32
      %add3A_72 = arith.addi %while3A_63, %add3A_71 : i32
      %lt3A = arith.cmpi slt, %add3A_72, %select_n3A : i32
      %convert_element_type3A_73 = arith.extui %lt3A : i1 to i32
      %cond3A_74 = arith.constant 0 : i32
      %cond3A_75 = arith.cmpi ne, %convert_element_type3A_73, %cond3A_74 : i32
      scf.if %cond3A_75 {
        %add3A_165 = arith.constant 1 : i32
        %add3A_166 = arith.addi %while3A_63, %add3A_165 : i32
        %jit3A_167 = arith.constant 2 : i32
        %eq3A_168 = arith.constant 0 : i32
        %eq3A_169 = arith.cmpi eq, %jit3A_167, %eq3A_168 : i32
        %jit3A_170 = arith.constant 1 : i32
        %select_n3A_171 = arith.select %eq3A_169, %jit3A_170, %jit3A_167 : i32
        %rem3A_172 = arith.remsi %add3A_166, %select_n3A_171 : i32
        %ne3A_173 = arith.constant 0 : i32
        %ne3A_174 = arith.cmpi ne, %rem3A_172, %ne3A_173 : i32
        %lt3A_175 = arith.constant 0 : i32
        %lt3A_176 = arith.cmpi slt, %rem3A_172, %lt3A_175 : i32
        %lt3A_177 = arith.constant 0 : i32
        %lt3A_178 = arith.cmpi slt, %select_n3A_171, %lt3A_177 : i32
        %ne3A_179 = arith.xori %lt3A_176, %lt3A_178 : i1
        %and3A_180 = arith.andi %ne3A_179, %ne3A_174 : i1
        %add3A_181 = arith.addi %rem3A_172, %select_n3A_171 : i32
        %select_n3A_182 = arith.select %and3A_180, %add3A_181, %rem3A_172 : i32
        %eq3A_183 = arith.constant 0 : i32
        %eq3A_184 = arith.cmpi eq, %select_n3A_182, %eq3A_183 : i32
        %convert_element_type3A_185 = arith.extui %eq3A_184 : i1 to i32
        %cond3A_186 = arith.constant 0 : i32
        %cond3A_187 = arith.cmpi ne, %convert_element_type3A_185, %cond3A_186 : i32
        scf.if %cond3A_187 {
          %add3A_209 = arith.constant 64 : i32
          %add3A_210 = arith.addi %mul3A_65, %add3A_209 : i32
          %dma_start3A = arith.constant 0 : i32
          %dma_start3A_211 = tpu.memref_slice %arg2[%add3A_210, %add3A, %dma_start3A] : memref<1024x32x512xf32, #tpu.memory_space<hbm>> -> memref<64x1x512xf32, #tpu.memory_space<hbm>>
          %dma_start3A_212 = tpu.memref_squeeze %dma_start3A_211 : memref<64x1x512xf32, #tpu.memory_space<hbm>> -> memref<64x512xf32, #tpu.memory_space<hbm>>
          %dma_start3A_213 = arith.constant 0 : i32
          %dma_start3A_214 = tpu.memref_slice %arg2[%add3A_210, %add3A, %dma_start3A_213] : memref<1024x32x512xf32, #tpu.memory_space<hbm>> -> memref<64x1x512xf32, #tpu.memory_space<hbm>>
          %dma_start3A_215 = tpu.memref_squeeze %dma_start3A_214 : memref<64x1x512xf32, #tpu.memory_space<hbm>> -> memref<64x512xf32, #tpu.memory_space<hbm>>
          tpu.enqueue_dma source(%dma_start3A_215 : memref<64x512xf32, #tpu.memory_space<hbm>>) target(%arg5 : memref<64x512xf32, #tpu.memory_space<vmem>>) target_semaphore(%arg9 : memref<!tpu.dma_semaphore, #tpu.memory_space<semaphore_mem>>)
        } else {
        }
        %jit3A_188 = arith.constant 2 : i32
        %eq3A_189 = arith.constant 0 : i32
        %eq3A_190 = arith.cmpi eq, %jit3A_188, %eq3A_189 : i32
        %jit3A_191 = arith.constant 1 : i32
        %select_n3A_192 = arith.select %eq3A_190, %jit3A_191, %jit3A_188 : i32
        %rem3A_193 = arith.remsi %add3A_166, %select_n3A_192 : i32
        %ne3A_194 = arith.constant 0 : i32
        %ne3A_195 = arith.cmpi ne, %rem3A_193, %ne3A_194 : i32
        %lt3A_196 = arith.constant 0 : i32
        %lt3A_197 = arith.cmpi slt, %rem3A_193, %lt3A_196 : i32
        %lt3A_198 = arith.constant 0 : i32
        %lt3A_199 = arith.cmpi slt, %select_n3A_192, %lt3A_198 : i32
        %ne3A_200 = arith.xori %lt3A_197, %lt3A_199 : i1
        %and3A_201 = arith.andi %ne3A_200, %ne3A_195 : i1
        %add3A_202 = arith.addi %rem3A_193, %select_n3A_192 : i32
        %select_n3A_203 = arith.select %and3A_201, %add3A_202, %rem3A_193 : i32
        %eq3A_204 = arith.constant 1 : i32
        %eq3A_205 = arith.cmpi eq, %select_n3A_203, %eq3A_204 : i32
        %convert_element_type3A_206 = arith.extui %eq3A_205 : i1 to i32
        %cond3A_207 = arith.constant 0 : i32
        %cond3A_208 = arith.cmpi ne, %convert_element_type3A_206, %cond3A_207 : i32
        scf.if %cond3A_208 {
          %add3A_209 = arith.constant 64 : i32
          %add3A_210 = arith.addi %mul3A_65, %add3A_209 : i32
          %dma_start3A = arith.constant 0 : i32
          %dma_start3A_211 = tpu.memref_slice %arg2[%add3A_210, %add3A, %dma_start3A] : memref<1024x32x512xf32, #tpu.memory_space<hbm>> -> memref<64x1x512xf32, #tpu.memory_space<hbm>>
          %dma_start3A_212 = tpu.memref_squeeze %dma_start3A_211 : memref<64x1x512xf32, #tpu.memory_space<hbm>> -> memref<64x512xf32, #tpu.memory_space<hbm>>
          %dma_start3A_213 = arith.constant 0 : i32
          %dma_start3A_214 = tpu.memref_slice %arg2[%add3A_210, %add3A, %dma_start3A_213] : memref<1024x32x512xf32, #tpu.memory_space<hbm>> -> memref<64x1x512xf32, #tpu.memory_space<hbm>>
          %dma_start3A_215 = tpu.memref_squeeze %dma_start3A_214 : memref<64x1x512xf32, #tpu.memory_space<hbm>> -> memref<64x512xf32, #tpu.memory_space<hbm>>
          tpu.enqueue_dma source(%dma_start3A_215 : memref<64x512xf32, #tpu.memory_space<hbm>>) target(%arg6 : memref<64x512xf32, #tpu.memory_space<vmem>>) target_semaphore(%arg9 : memref<!tpu.dma_semaphore, #tpu.memory_space<semaphore_mem>>)
        } else {
        }
      } else {
      }
      %add3A_76 = arith.constant 64 : i32
      %add3A_77 = arith.addi %mul3A_65, %add3A_76 : i32
      %gt3A_78 = arith.cmpi sgt, %add3A_77, %squeeze3A : i32
      %convert_element_type3A_79 = arith.extui %gt3A_78 : i1 to i32
      %cond3A_80 = arith.constant 0 : i32
      %cond3A_81 = arith.cmpi ne, %convert_element_type3A_79, %cond3A_80 : i32
      scf.if %cond3A_81 {
        %sub3A_165 = arith.subi %squeeze3A, %mul3A_65 : i32
        %mul3A_166 = arith.constant 32 : i32
        %mul3A_167 = arith.muli %sub3A_165, %mul3A_166 : i32
        %while3A_168 = arith.constant 0 : i32
        %while3A_169 = arith.constant 2048 : i32
        %while3A_170 = arith.subi %while3A_169, %mul3A_167 : i32
        %while3A_171 = arith.addi %mul3A_167, %while3A_170 : i32
        %while3A_172 = arith.constant 1 : i32
        %while3A_173 = arith.divsi %while3A_170, %while3A_172 : i32
        %while3A_174 = arith.muli %while3A_173, %while3A_172 : i32
        %while3A_175 = arith.addi %mul3A_167, %while3A_174 : i32
        %while3A_176 = arith.constant 1 : i32
        scf.for %while3A_178 = %mul3A_167 to %while3A_175 step %while3A_176  : i32 {
          %jit3A_179 = arith.constant 2 : i32
          %eq3A_180 = arith.constant 0 : i32
          %eq3A_181 = arith.cmpi eq, %jit3A_179, %eq3A_180 : i32
          %jit3A_182 = arith.constant 1 : i32
          %select_n3A_183 = arith.select %eq3A_181, %jit3A_182, %jit3A_179 : i32
          %rem3A_184 = arith.remsi %while3A_63, %select_n3A_183 : i32
          %ne3A_185 = arith.constant 0 : i32
          %ne3A_186 = arith.cmpi ne, %rem3A_184, %ne3A_185 : i32
          %lt3A_187 = arith.constant 0 : i32
          %lt3A_188 = arith.cmpi slt, %rem3A_184, %lt3A_187 : i32
          %lt3A_189 = arith.constant 0 : i32
          %lt3A_190 = arith.cmpi slt, %select_n3A_183, %lt3A_189 : i32
          %ne3A_191 = arith.xori %lt3A_188, %lt3A_190 : i1
          %and3A_192 = arith.andi %ne3A_191, %ne3A_186 : i1
          %add3A_193 = arith.addi %rem3A_184, %select_n3A_183 : i32
          %select_n3A_194 = arith.select %and3A_192, %add3A_193, %rem3A_184 : i32
          %eq3A_195 = arith.constant 0 : i32
          %eq3A_196 = arith.cmpi eq, %select_n3A_194, %eq3A_195 : i32
          %convert_element_type3A_197 = arith.extui %eq3A_196 : i1 to i32
          %cond3A_198 = arith.constant 0 : i32
          %cond3A_199 = arith.cmpi ne, %convert_element_type3A_197, %cond3A_198 : i32
          scf.if %cond3A_199 {
            %jit3A_221 = arith.constant 32 : i32
            %div3A_222 = arith.divsi %while3A_178, %jit3A_221 : i32
            %sign3A_223 = arith.constant 0 : i32
            %sign3A_224 = arith.cmpi sgt, %while3A_178, %sign3A_223 : i32
            %sign3A_225 = arith.extui %sign3A_224 : i1 to i32
            %sign3A_226 = arith.constant 0 : i32
            %sign3A_227 = arith.cmpi slt, %while3A_178, %sign3A_226 : i32
            %sign3A_228 = arith.extui %sign3A_227 : i1 to i32
            %sign3A_229 = arith.subi %sign3A_225, %sign3A_228 : i32
            %sign3A_230 = arith.constant 0 : i32
            %sign3A_231 = arith.cmpi sgt, %jit3A_221, %sign3A_230 : i32
            %sign3A_232 = arith.extui %sign3A_231 : i1 to i32
            %sign3A_233 = arith.constant 0 : i32
            %sign3A_234 = arith.cmpi slt, %jit3A_221, %sign3A_233 : i32
            %sign3A_235 = arith.extui %sign3A_234 : i1 to i32
            %sign3A_236 = arith.subi %sign3A_232, %sign3A_235 : i32
            %ne3A_237 = arith.cmpi ne, %sign3A_229, %sign3A_236 : i32
            %rem3A_238 = arith.remsi %while3A_178, %jit3A_221 : i32
            %ne3A_239 = arith.constant 0 : i32
            %ne3A_240 = arith.cmpi ne, %rem3A_238, %ne3A_239 : i32
            %and3A_241 = arith.andi %ne3A_237, %ne3A_240 : i1
            %sub3A_242 = arith.constant 1 : i32
            %sub3A_243 = arith.subi %div3A_222, %sub3A_242 : i32
            %select_n3A_244 = arith.select %and3A_241, %sub3A_243, %div3A_222 : i32
            %jit3A_245 = arith.constant 32 : i32
            %eq3A_246 = arith.constant 0 : i32
            %eq3A_247 = arith.cmpi eq, %jit3A_245, %eq3A_246 : i32
            %jit3A_248 = arith.constant 1 : i32
            %select_n3A_249 = arith.select %eq3A_247, %jit3A_248, %jit3A_245 : i32
            %rem3A_250 = arith.remsi %while3A_178, %select_n3A_249 : i32
            %ne3A_251 = arith.constant 0 : i32
            %ne3A_252 = arith.cmpi ne, %rem3A_250, %ne3A_251 : i32
            %lt3A_253 = arith.constant 0 : i32
            %lt3A_254 = arith.cmpi slt, %rem3A_250, %lt3A_253 : i32
            %lt3A_255 = arith.constant 0 : i32
            %lt3A_256 = arith.cmpi slt, %select_n3A_249, %lt3A_255 : i32
            %ne3A_257 = arith.xori %lt3A_254, %lt3A_256 : i1
            %and3A_258 = arith.andi %ne3A_257, %ne3A_252 : i1
            %add3A_259 = arith.addi %rem3A_250, %select_n3A_249 : i32
            %select_n3A_260 = arith.select %and3A_258, %add3A_259, %rem3A_250 : i32
            %mul3A_261 = arith.constant 16 : i32
            %mul3A_262 = arith.muli %select_n3A_260, %mul3A_261 : i32
            %swap3A = arith.index_cast %select_n3A_244 : i32 to index
            %swap3A_263 = arith.index_cast %mul3A_262 : i32 to index
            %swap3A_264 = tpu.vector_load %arg5[%swap3A, %swap3A_263] {strides = array<i32>} : memref<64x512xf32, #tpu.memory_space<vmem>>, vector<1x16xf32>,
            %swap3A_265 = vector.shape_cast %swap3A_264 : vector<1x16xf32> to vector<16xf32>
            %swap3A_266 = vector.shape_cast %broadcast_in_dim3A_26 : vector<16xf32> to vector<1x16xf32>
            tpu.vector_store %arg5[%swap3A, %swap3A_263], %swap3A_266 {strides = array<i32>} : memref<64x512xf32, #tpu.memory_space<vmem>>, vector<1x16xf32>,
          } else {
          }
          %jit3A_200 = arith.constant 2 : i32
          %eq3A_201 = arith.constant 0 : i32
          %eq3A_202 = arith.cmpi eq, %jit3A_200, %eq3A_201 : i32
          %jit3A_203 = arith.constant 1 : i32
          %select_n3A_204 = arith.select %eq3A_202, %jit3A_203, %jit3A_200 : i32
          %rem3A_205 = arith.remsi %while3A_63, %select_n3A_204 : i32
          %ne3A_206 = arith.constant 0 : i32
          %ne3A_207 = arith.cmpi ne, %rem3A_205, %ne3A_206 : i32
          %lt3A_208 = arith.constant 0 : i32
          %lt3A_209 = arith.cmpi slt, %rem3A_205, %lt3A_208 : i32
          %lt3A_210 = arith.constant 0 : i32
          %lt3A_211 = arith.cmpi slt, %select_n3A_204, %lt3A_210 : i32
          %ne3A_212 = arith.xori %lt3A_209, %lt3A_211 : i1
          %and3A_213 = arith.andi %ne3A_212, %ne3A_207 : i1
          %add3A_214 = arith.addi %rem3A_205, %select_n3A_204 : i32
          %select_n3A_215 = arith.select %and3A_213, %add3A_214, %rem3A_205 : i32
          %eq3A_216 = arith.constant 1 : i32
          %eq3A_217 = arith.cmpi eq, %select_n3A_215, %eq3A_216 : i32
          %convert_element_type3A_218 = arith.extui %eq3A_217 : i1 to i32
          %cond3A_219 = arith.constant 0 : i32
          %cond3A_220 = arith.cmpi ne, %convert_element_type3A_218, %cond3A_219 : i32
          scf.if %cond3A_220 {
            %jit3A_221 = arith.constant 32 : i32
            %div3A_222 = arith.divsi %while3A_178, %jit3A_221 : i32
            %sign3A_223 = arith.constant 0 : i32
            %sign3A_224 = arith.cmpi sgt, %while3A_178, %sign3A_223 : i32
            %sign3A_225 = arith.extui %sign3A_224 : i1 to i32
            %sign3A_226 = arith.constant 0 : i32
            %sign3A_227 = arith.cmpi slt, %while3A_178, %sign3A_226 : i32
            %sign3A_228 = arith.extui %sign3A_227 : i1 to i32
            %sign3A_229 = arith.subi %sign3A_225, %sign3A_228 : i32
            %sign3A_230 = arith.constant 0 : i32
            %sign3A_231 = arith.cmpi sgt, %jit3A_221, %sign3A_230 : i32
            %sign3A_232 = arith.extui %sign3A_231 : i1 to i32
            %sign3A_233 = arith.constant 0 : i32
            %sign3A_234 = arith.cmpi slt, %jit3A_221, %sign3A_233 : i32
            %sign3A_235 = arith.extui %sign3A_234 : i1 to i32
            %sign3A_236 = arith.subi %sign3A_232, %sign3A_235 : i32
            %ne3A_237 = arith.cmpi ne, %sign3A_229, %sign3A_236 : i32
            %rem3A_238 = arith.remsi %while3A_178, %jit3A_221 : i32
            %ne3A_239 = arith.constant 0 : i32
            %ne3A_240 = arith.cmpi ne, %rem3A_238, %ne3A_239 : i32
            %and3A_241 = arith.andi %ne3A_237, %ne3A_240 : i1
            %sub3A_242 = arith.constant 1 : i32
            %sub3A_243 = arith.subi %div3A_222, %sub3A_242 : i32
            %select_n3A_244 = arith.select %and3A_241, %sub3A_243, %div3A_222 : i32
            %jit3A_245 = arith.constant 32 : i32
            %eq3A_246 = arith.constant 0 : i32
            %eq3A_247 = arith.cmpi eq, %jit3A_245, %eq3A_246 : i32
            %jit3A_248 = arith.constant 1 : i32
            %select_n3A_249 = arith.select %eq3A_247, %jit3A_248, %jit3A_245 : i32
            %rem3A_250 = arith.remsi %while3A_178, %select_n3A_249 : i32
            %ne3A_251 = arith.constant 0 : i32
            %ne3A_252 = arith.cmpi ne, %rem3A_250, %ne3A_251 : i32
            %lt3A_253 = arith.constant 0 : i32
            %lt3A_254 = arith.cmpi slt, %rem3A_250, %lt3A_253 : i32
            %lt3A_255 = arith.constant 0 : i32
            %lt3A_256 = arith.cmpi slt, %select_n3A_249, %lt3A_255 : i32
            %ne3A_257 = arith.xori %lt3A_254, %lt3A_256 : i1
            %and3A_258 = arith.andi %ne3A_257, %ne3A_252 : i1
            %add3A_259 = arith.addi %rem3A_250, %select_n3A_249 : i32
            %select_n3A_260 = arith.select %and3A_258, %add3A_259, %rem3A_250 : i32
            %mul3A_261 = arith.constant 16 : i32
            %mul3A_262 = arith.muli %select_n3A_260, %mul3A_261 : i32
            %swap3A = arith.index_cast %select_n3A_244 : i32 to index
            %swap3A_263 = arith.index_cast %mul3A_262 : i32 to index
            %swap3A_264 = tpu.vector_load %arg6[%swap3A, %swap3A_263] {strides = array<i32>} : memref<64x512xf32, #tpu.memory_space<vmem>>, vector<1x16xf32>,
            %swap3A_265 = vector.shape_cast %swap3A_264 : vector<1x16xf32> to vector<16xf32>
            %swap3A_266 = vector.shape_cast %broadcast_in_dim3A_26 : vector<16xf32> to vector<1x16xf32>
            tpu.vector_store %arg6[%swap3A, %swap3A_263], %swap3A_266 {strides = array<i32>} : memref<64x512xf32, #tpu.memory_space<vmem>>, vector<1x16xf32>,
          } else {
          }
        }
        %while3A_177 = arith.constant 1 : i32
        scf.for %while3A_178 = %while3A_175 to %while3A_171 step %while3A_177  : i32 {
          %jit3A_179 = arith.constant 2 : i32
          %eq3A_180 = arith.constant 0 : i32
          %eq3A_181 = arith.cmpi eq, %jit3A_179, %eq3A_180 : i32
          %jit3A_182 = arith.constant 1 : i32
          %select_n3A_183 = arith.select %eq3A_181, %jit3A_182, %jit3A_179 : i32
          %rem3A_184 = arith.remsi %while3A_63, %select_n3A_183 : i32
          %ne3A_185 = arith.constant 0 : i32
          %ne3A_186 = arith.cmpi ne, %rem3A_184, %ne3A_185 : i32
          %lt3A_187 = arith.constant 0 : i32
          %lt3A_188 = arith.cmpi slt, %rem3A_184, %lt3A_187 : i32
          %lt3A_189 = arith.constant 0 : i32
          %lt3A_190 = arith.cmpi slt, %select_n3A_183, %lt3A_189 : i32
          %ne3A_191 = arith.xori %lt3A_188, %lt3A_190 : i1
          %and3A_192 = arith.andi %ne3A_191, %ne3A_186 : i1
          %add3A_193 = arith.addi %rem3A_184, %select_n3A_183 : i32
          %select_n3A_194 = arith.select %and3A_192, %add3A_193, %rem3A_184 : i32
          %eq3A_195 = arith.constant 0 : i32
          %eq3A_196 = arith.cmpi eq, %select_n3A_194, %eq3A_195 : i32
          %convert_element_type3A_197 = arith.extui %eq3A_196 : i1 to i32
          %cond3A_198 = arith.constant 0 : i32
          %cond3A_199 = arith.cmpi ne, %convert_element_type3A_197, %cond3A_198 : i32
          scf.if %cond3A_199 {
            %jit3A_221 = arith.constant 32 : i32
            %div3A_222 = arith.divsi %while3A_178, %jit3A_221 : i32
            %sign3A_223 = arith.constant 0 : i32
            %sign3A_224 = arith.cmpi sgt, %while3A_178, %sign3A_223 : i32
            %sign3A_225 = arith.extui %sign3A_224 : i1 to i32
            %sign3A_226 = arith.constant 0 : i32
            %sign3A_227 = arith.cmpi slt, %while3A_178, %sign3A_226 : i32
            %sign3A_228 = arith.extui %sign3A_227 : i1 to i32
            %sign3A_229 = arith.subi %sign3A_225, %sign3A_228 : i32
            %sign3A_230 = arith.constant 0 : i32
            %sign3A_231 = arith.cmpi sgt, %jit3A_221, %sign3A_230 : i32
            %sign3A_232 = arith.extui %sign3A_231 : i1 to i32
            %sign3A_233 = arith.constant 0 : i32
            %sign3A_234 = arith.cmpi slt, %jit3A_221, %sign3A_233 : i32
            %sign3A_235 = arith.extui %sign3A_234 : i1 to i32
            %sign3A_236 = arith.subi %sign3A_232, %sign3A_235 : i32
            %ne3A_237 = arith.cmpi ne, %sign3A_229, %sign3A_236 : i32
            %rem3A_238 = arith.remsi %while3A_178, %jit3A_221 : i32
            %ne3A_239 = arith.constant 0 : i32
            %ne3A_240 = arith.cmpi ne, %rem3A_238, %ne3A_239 : i32
            %and3A_241 = arith.andi %ne3A_237, %ne3A_240 : i1
            %sub3A_242 = arith.constant 1 : i32
            %sub3A_243 = arith.subi %div3A_222, %sub3A_242 : i32
            %select_n3A_244 = arith.select %and3A_241, %sub3A_243, %div3A_222 : i32
            %jit3A_245 = arith.constant 32 : i32
            %eq3A_246 = arith.constant 0 : i32
            %eq3A_247 = arith.cmpi eq, %jit3A_245, %eq3A_246 : i32
            %jit3A_248 = arith.constant 1 : i32
            %select_n3A_249 = arith.select %eq3A_247, %jit3A_248, %jit3A_245 : i32
            %rem3A_250 = arith.remsi %while3A_178, %select_n3A_249 : i32
            %ne3A_251 = arith.constant 0 : i32
            %ne3A_252 = arith.cmpi ne, %rem3A_250, %ne3A_251 : i32
            %lt3A_253 = arith.constant 0 : i32
            %lt3A_254 = arith.cmpi slt, %rem3A_250, %lt3A_253 : i32
            %lt3A_255 = arith.constant 0 : i32
            %lt3A_256 = arith.cmpi slt, %select_n3A_249, %lt3A_255 : i32
            %ne3A_257 = arith.xori %lt3A_254, %lt3A_256 : i1
            %and3A_258 = arith.andi %ne3A_257, %ne3A_252 : i1
            %add3A_259 = arith.addi %rem3A_250, %select_n3A_249 : i32
            %select_n3A_260 = arith.select %and3A_258, %add3A_259, %rem3A_250 : i32
            %mul3A_261 = arith.constant 16 : i32
            %mul3A_262 = arith.muli %select_n3A_260, %mul3A_261 : i32
            %swap3A = arith.index_cast %select_n3A_244 : i32 to index
            %swap3A_263 = arith.index_cast %mul3A_262 : i32 to index
            %swap3A_264 = tpu.vector_load %arg5[%swap3A, %swap3A_263] {strides = array<i32>} : memref<64x512xf32, #tpu.memory_space<vmem>>, vector<1x16xf32>,
            %swap3A_265 = vector.shape_cast %swap3A_264 : vector<1x16xf32> to vector<16xf32>
            %swap3A_266 = vector.shape_cast %broadcast_in_dim3A_26 : vector<16xf32> to vector<1x16xf32>
            tpu.vector_store %arg5[%swap3A, %swap3A_263], %swap3A_266 {strides = array<i32>} : memref<64x512xf32, #tpu.memory_space<vmem>>, vector<1x16xf32>,
          } else {
          }
          %jit3A_200 = arith.constant 2 : i32
          %eq3A_201 = arith.constant 0 : i32
          %eq3A_202 = arith.cmpi eq, %jit3A_200, %eq3A_201 : i32
          %jit3A_203 = arith.constant 1 : i32
          %select_n3A_204 = arith.select %eq3A_202, %jit3A_203, %jit3A_200 : i32
          %rem3A_205 = arith.remsi %while3A_63, %select_n3A_204 : i32
          %ne3A_206 = arith.constant 0 : i32
          %ne3A_207 = arith.cmpi ne, %rem3A_205, %ne3A_206 : i32
          %lt3A_208 = arith.constant 0 : i32
          %lt3A_209 = arith.cmpi slt, %rem3A_205, %lt3A_208 : i32
          %lt3A_210 = arith.constant 0 : i32
          %lt3A_211 = arith.cmpi slt, %select_n3A_204, %lt3A_210 : i32
          %ne3A_212 = arith.xori %lt3A_209, %lt3A_211 : i1
          %and3A_213 = arith.andi %ne3A_212, %ne3A_207 : i1
          %add3A_214 = arith.addi %rem3A_205, %select_n3A_204 : i32
          %select_n3A_215 = arith.select %and3A_213, %add3A_214, %rem3A_205 : i32
          %eq3A_216 = arith.constant 1 : i32
          %eq3A_217 = arith.cmpi eq, %select_n3A_215, %eq3A_216 : i32
          %convert_element_type3A_218 = arith.extui %eq3A_217 : i1 to i32
          %cond3A_219 = arith.constant 0 : i32
          %cond3A_220 = arith.cmpi ne, %convert_element_type3A_218, %cond3A_219 : i32
          scf.if %cond3A_220 {
            %jit3A_221 = arith.constant 32 : i32
            %div3A_222 = arith.divsi %while3A_178, %jit3A_221 : i32
            %sign3A_223 = arith.constant 0 : i32
            %sign3A_224 = arith.cmpi sgt, %while3A_178, %sign3A_223 : i32
            %sign3A_225 = arith.extui %sign3A_224 : i1 to i32
            %sign3A_226 = arith.constant 0 : i32
            %sign3A_227 = arith.cmpi slt, %while3A_178, %sign3A_226 : i32
            %sign3A_228 = arith.extui %sign3A_227 : i1 to i32
            %sign3A_229 = arith.subi %sign3A_225, %sign3A_228 : i32
            %sign3A_230 = arith.constant 0 : i32
            %sign3A_231 = arith.cmpi sgt, %jit3A_221, %sign3A_230 : i32
            %sign3A_232 = arith.extui %sign3A_231 : i1 to i32
            %sign3A_233 = arith.constant 0 : i32
            %sign3A_234 = arith.cmpi slt, %jit3A_221, %sign3A_233 : i32
            %sign3A_235 = arith.extui %sign3A_234 : i1 to i32
            %sign3A_236 = arith.subi %sign3A_232, %sign3A_235 : i32
            %ne3A_237 = arith.cmpi ne, %sign3A_229, %sign3A_236 : i32
            %rem3A_238 = arith.remsi %while3A_178, %jit3A_221 : i32
            %ne3A_239 = arith.constant 0 : i32
            %ne3A_240 = arith.cmpi ne, %rem3A_238, %ne3A_239 : i32
            %and3A_241 = arith.andi %ne3A_237, %ne3A_240 : i1
            %sub3A_242 = arith.constant 1 : i32
            %sub3A_243 = arith.subi %div3A_222, %sub3A_242 : i32
            %select_n3A_244 = arith.select %and3A_241, %sub3A_243, %div3A_222 : i32
            %jit3A_245 = arith.constant 32 : i32
            %eq3A_246 = arith.constant 0 : i32
            %eq3A_247 = arith.cmpi eq, %jit3A_245, %eq3A_246 : i32
            %jit3A_248 = arith.constant 1 : i32
            %select_n3A_249 = arith.select %eq3A_247, %jit3A_248, %jit3A_245 : i32
            %rem3A_250 = arith.remsi %while3A_178, %select_n3A_249 : i32
            %ne3A_251 = arith.constant 0 : i32
            %ne3A_252 = arith.cmpi ne, %rem3A_250, %ne3A_251 : i32
            %lt3A_253 = arith.constant 0 : i32
            %lt3A_254 = arith.cmpi slt, %rem3A_250, %lt3A_253 : i32
            %lt3A_255 = arith.constant 0 : i32
            %lt3A_256 = arith.cmpi slt, %select_n3A_249, %lt3A_255 : i32
            %ne3A_257 = arith.xori %lt3A_254, %lt3A_256 : i1
            %and3A_258 = arith.andi %ne3A_257, %ne3A_252 : i1
            %add3A_259 = arith.addi %rem3A_250, %select_n3A_249 : i32
            %select_n3A_260 = arith.select %and3A_258, %add3A_259, %rem3A_250 : i32
            %mul3A_261 = arith.constant 16 : i32
            %mul3A_262 = arith.muli %select_n3A_260, %mul3A_261 : i32
            %swap3A = arith.index_cast %select_n3A_244 : i32 to index
            %swap3A_263 = arith.index_cast %mul3A_262 : i32 to index
            %swap3A_264 = tpu.vector_load %arg6[%swap3A, %swap3A_263] {strides = array<i32>} : memref<64x512xf32, #tpu.memory_space<vmem>>, vector<1x16xf32>,
            %swap3A_265 = vector.shape_cast %swap3A_264 : vector<1x16xf32> to vector<16xf32>
            %swap3A_266 = vector.shape_cast %broadcast_in_dim3A_26 : vector<16xf32> to vector<1x16xf32>
            tpu.vector_store %arg6[%swap3A, %swap3A_263], %swap3A_266 {strides = array<i32>} : memref<64x512xf32, #tpu.memory_space<vmem>>, vector<1x16xf32>,
          } else {
          }
        }
      } else {
      }
      %jit3A_82 = arith.constant 2 : i32
      %eq3A = arith.constant 0 : i32
      %eq3A_83 = arith.cmpi eq, %jit3A_82, %eq3A : i32
      %jit3A_84 = arith.constant 1 : i32
      %select_n3A_85 = arith.select %eq3A_83, %jit3A_84, %jit3A_82 : i32
      %rem3A_86 = arith.remsi %while3A_63, %select_n3A_85 : i32
      %ne3A_87 = arith.constant 0 : i32
      %ne3A_88 = arith.cmpi ne, %rem3A_86, %ne3A_87 : i32
      %lt3A_89 = arith.constant 0 : i32
      %lt3A_90 = arith.cmpi slt, %rem3A_86, %lt3A_89 : i32
      %lt3A_91 = arith.constant 0 : i32
      %lt3A_92 = arith.cmpi slt, %select_n3A_85, %lt3A_91 : i32
      %ne3A_93 = arith.xori %lt3A_90, %lt3A_92 : i1
      %and3A_94 = arith.andi %ne3A_93, %ne3A_88 : i1
      %add3A_95 = arith.addi %rem3A_86, %select_n3A_85 : i32
      %select_n3A_96 = arith.select %and3A_94, %add3A_95, %rem3A_86 : i32
      %eq3A_97 = arith.constant 0 : i32
      %eq3A_98 = arith.cmpi eq, %select_n3A_96, %eq3A_97 : i32
      %convert_element_type3A_99 = arith.extui %eq3A_98 : i1 to i32
      %cond3A_100 = arith.constant 0 : i32
      %cond3A_101 = arith.cmpi ne, %convert_element_type3A_99, %cond3A_100 : i32
      scf.if %cond3A_101 {
        %dma_start3A = arith.constant 0 : i32
        %dma_start3A_165 = tpu.memref_slice %arg4[%mul3A_65, %add3A_3, %dma_start3A] : memref<1024x32x512xf32, #tpu.memory_space<hbm>> -> memref<64x1x512xf32, #tpu.memory_space<hbm>>
        %dma_start3A_166 = tpu.memref_squeeze %dma_start3A_165 : memref<64x1x512xf32, #tpu.memory_space<hbm>> -> memref<64x512xf32, #tpu.memory_space<hbm>>
        %dma_start3A_167 = arith.constant 0 : i32
        %dma_start3A_168 = tpu.memref_slice %arg4[%mul3A_65, %add3A_3, %dma_start3A_167] : memref<1024x32x512xf32, #tpu.memory_space<hbm>> -> memref<64x1x512xf32, #tpu.memory_space<hbm>>
        %dma_start3A_169 = tpu.memref_squeeze %dma_start3A_168 : memref<64x1x512xf32, #tpu.memory_space<hbm>> -> memref<64x512xf32, #tpu.memory_space<hbm>>
        tpu.enqueue_dma source(%arg5 : memref<64x512xf32, #tpu.memory_space<vmem>>) target(%dma_start3A_169 : memref<64x512xf32, #tpu.memory_space<hbm>>) target_semaphore(%arg10 : memref<!tpu.dma_semaphore, #tpu.memory_space<semaphore_mem>>)
      } else {
      }
      %jit3A_102 = arith.constant 2 : i32
      %eq3A_103 = arith.constant 0 : i32
      %eq3A_104 = arith.cmpi eq, %jit3A_102, %eq3A_103 : i32
      %jit3A_105 = arith.constant 1 : i32
      %select_n3A_106 = arith.select %eq3A_104, %jit3A_105, %jit3A_102 : i32
      %rem3A_107 = arith.remsi %while3A_63, %select_n3A_106 : i32
      %ne3A_108 = arith.constant 0 : i32
      %ne3A_109 = arith.cmpi ne, %rem3A_107, %ne3A_108 : i32
      %lt3A_110 = arith.constant 0 : i32
      %lt3A_111 = arith.cmpi slt, %rem3A_107, %lt3A_110 : i32
      %lt3A_112 = arith.constant 0 : i32
      %lt3A_113 = arith.cmpi slt, %select_n3A_106, %lt3A_112 : i32
      %ne3A_114 = arith.xori %lt3A_111, %lt3A_113 : i1
      %and3A_115 = arith.andi %ne3A_114, %ne3A_109 : i1
      %add3A_116 = arith.addi %rem3A_107, %select_n3A_106 : i32
      %select_n3A_117 = arith.select %and3A_115, %add3A_116, %rem3A_107 : i32
      %eq3A_118 = arith.constant 1 : i32
      %eq3A_119 = arith.cmpi eq, %select_n3A_117, %eq3A_118 : i32
      %convert_element_type3A_120 = arith.extui %eq3A_119 : i1 to i32
      %cond3A_121 = arith.constant 0 : i32
      %cond3A_122 = arith.cmpi ne, %convert_element_type3A_120, %cond3A_121 : i32
      scf.if %cond3A_122 {
        %dma_start3A = arith.constant 0 : i32
        %dma_start3A_165 = tpu.memref_slice %arg4[%mul3A_65, %add3A_3, %dma_start3A] : memref<1024x32x512xf32, #tpu.memory_space<hbm>> -> memref<64x1x512xf32, #tpu.memory_space<hbm>>
        %dma_start3A_166 = tpu.memref_squeeze %dma_start3A_165 : memref<64x1x512xf32, #tpu.memory_space<hbm>> -> memref<64x512xf32, #tpu.memory_space<hbm>>
        %dma_start3A_167 = arith.constant 0 : i32
        %dma_start3A_168 = tpu.memref_slice %arg4[%mul3A_65, %add3A_3, %dma_start3A_167] : memref<1024x32x512xf32, #tpu.memory_space<hbm>> -> memref<64x1x512xf32, #tpu.memory_space<hbm>>
        %dma_start3A_169 = tpu.memref_squeeze %dma_start3A_168 : memref<64x1x512xf32, #tpu.memory_space<hbm>> -> memref<64x512xf32, #tpu.memory_space<hbm>>
        tpu.enqueue_dma source(%arg6 : memref<64x512xf32, #tpu.memory_space<vmem>>) target(%dma_start3A_169 : memref<64x512xf32, #tpu.memory_space<hbm>>) target_semaphore(%arg10 : memref<!tpu.dma_semaphore, #tpu.memory_space<semaphore_mem>>)
      } else {
      }
      %jit3A_123 = arith.constant 2 : i32
      %eq3A_124 = arith.constant 0 : i32
      %eq3A_125 = arith.cmpi eq, %jit3A_123, %eq3A_124 : i32
      %jit3A_126 = arith.constant 1 : i32
      %select_n3A_127 = arith.select %eq3A_125, %jit3A_126, %jit3A_123 : i32
      %rem3A_128 = arith.remsi %while3A_63, %select_n3A_127 : i32
      %ne3A_129 = arith.constant 0 : i32
      %ne3A_130 = arith.cmpi ne, %rem3A_128, %ne3A_129 : i32
      %lt3A_131 = arith.constant 0 : i32
      %lt3A_132 = arith.cmpi slt, %rem3A_128, %lt3A_131 : i32
      %lt3A_133 = arith.constant 0 : i32
      %lt3A_134 = arith.cmpi slt, %select_n3A_127, %lt3A_133 : i32
      %ne3A_135 = arith.xori %lt3A_132, %lt3A_134 : i1
      %and3A_136 = arith.andi %ne3A_135, %ne3A_130 : i1
      %add3A_137 = arith.addi %rem3A_128, %select_n3A_127 : i32
      %select_n3A_138 = arith.select %and3A_136, %add3A_137, %rem3A_128 : i32
      %eq3A_139 = arith.constant 0 : i32
      %eq3A_140 = arith.cmpi eq, %select_n3A_138, %eq3A_139 : i32
      %convert_element_type3A_141 = arith.extui %eq3A_140 : i1 to i32
      %cond3A_142 = arith.constant 0 : i32
      %cond3A_143 = arith.cmpi ne, %convert_element_type3A_141, %cond3A_142 : i32
      scf.if %cond3A_143 {
        %dma_wait3A_165 = arith.constant 0 : i32
        %dma_wait3A_166 = tpu.memref_slice %arg4[%mul3A_65, %add3A_3, %dma_wait3A_165] : memref<1024x32x512xf32, #tpu.memory_space<hbm>> -> memref<64x1x512xf32, #tpu.memory_space<hbm>>
        %dma_wait3A_167 = tpu.memref_squeeze %dma_wait3A_166 : memref<64x1x512xf32, #tpu.memory_space<hbm>> -> memref<64x512xf32, #tpu.memory_space<hbm>>
        %dma_wait3A_168 = arith.constant 0 : i32
        %dma_wait3A_169 = tpu.memref_slice %arg4[%mul3A_65, %add3A_3, %dma_wait3A_168] : memref<1024x32x512xf32, #tpu.memory_space<hbm>> -> memref<64x1x512xf32, #tpu.memory_space<hbm>>
        %dma_wait3A_170 = tpu.memref_squeeze %dma_wait3A_169 : memref<64x1x512xf32, #tpu.memory_space<hbm>> -> memref<64x512xf32, #tpu.memory_space<hbm>>
        tpu.wait_dma2 semaphore(%arg10 : memref<!tpu.dma_semaphore, #tpu.memory_space<semaphore_mem>>) src(%arg5 : memref<64x512xf32, #tpu.memory_space<vmem>>) dst(%dma_wait3A_170 : memref<64x512xf32, #tpu.memory_space<hbm>>)
      } else {
      }
      %jit3A_144 = arith.constant 2 : i32
      %eq3A_145 = arith.constant 0 : i32
      %eq3A_146 = arith.cmpi eq, %jit3A_144, %eq3A_145 : i32
      %jit3A_147 = arith.constant 1 : i32
      %select_n3A_148 = arith.select %eq3A_146, %jit3A_147, %jit3A_144 : i32
      %rem3A_149 = arith.remsi %while3A_63, %select_n3A_148 : i32
      %ne3A_150 = arith.constant 0 : i32
      %ne3A_151 = arith.cmpi ne, %rem3A_149, %ne3A_150 : i32
      %lt3A_152 = arith.constant 0 : i32
      %lt3A_153 = arith.cmpi slt, %rem3A_149, %lt3A_152 : i32
      %lt3A_154 = arith.constant 0 : i32
      %lt3A_155 = arith.cmpi slt, %select_n3A_148, %lt3A_154 : i32
      %ne3A_156 = arith.xori %lt3A_153, %lt3A_155 : i1
      %and3A_157 = arith.andi %ne3A_156, %ne3A_151 : i1
      %add3A_158 = arith.addi %rem3A_149, %select_n3A_148 : i32
      %select_n3A_159 = arith.select %and3A_157, %add3A_158, %rem3A_149 : i32
      %eq3A_160 = arith.constant 1 : i32
      %eq3A_161 = arith.cmpi eq, %select_n3A_159, %eq3A_160 : i32
      %convert_element_type3A_162 = arith.extui %eq3A_161 : i1 to i32
      %cond3A_163 = arith.constant 0 : i32
      %cond3A_164 = arith.cmpi ne, %convert_element_type3A_162, %cond3A_163 : i32
      scf.if %cond3A_164 {
        %dma_wait3A_165 = arith.constant 0 : i32
        %dma_wait3A_166 = tpu.memref_slice %arg4[%mul3A_65, %add3A_3, %dma_wait3A_165] : memref<1024x32x512xf32, #tpu.memory_space<hbm>> -> memref<64x1x512xf32, #tpu.memory_space<hbm>>
        %dma_wait3A_167 = tpu.memref_squeeze %dma_wait3A_166 : memref<64x1x512xf32, #tpu.memory_space<hbm>> -> memref<64x512xf32, #tpu.memory_space<hbm>>
        %dma_wait3A_168 = arith.constant 0 : i32
        %dma_wait3A_169 = tpu.memref_slice %arg4[%mul3A_65, %add3A_3, %dma_wait3A_168] : memref<1024x32x512xf32, #tpu.memory_space<hbm>> -> memref<64x1x512xf32, #tpu.memory_space<hbm>>
        %dma_wait3A_170 = tpu.memref_squeeze %dma_wait3A_169 : memref<64x1x512xf32, #tpu.memory_space<hbm>> -> memref<64x512xf32, #tpu.memory_space<hbm>>
        tpu.wait_dma2 semaphore(%arg10 : memref<!tpu.dma_semaphore, #tpu.memory_space<semaphore_mem>>) src(%arg6 : memref<64x512xf32, #tpu.memory_space<vmem>>) dst(%dma_wait3A_170 : memref<64x512xf32, #tpu.memory_space<hbm>>)
      } else {
      }
    }
    %while3A_52 = arith.constant 1 : i32
    scf.for %while3A_63 = %while3A_50 to %while3A_46 step %while3A_52  : i32 {
      %mul3A_64 = arith.constant 64 : i32
      %mul3A_65 = arith.muli %while3A_63, %mul3A_64 : i32
      %dma_wait3A = arith.constant 0 : i32
      %dma_wait3A_66 = tpu.memref_slice %arg2[%mul3A_65, %add3A, %dma_wait3A] : memref<1024x32x512xf32, #tpu.memory_space<hbm>> -> memref<64x1x512xf32, #tpu.memory_space<hbm>>
      %dma_wait3A_67 = tpu.memref_squeeze %dma_wait3A_66 : memref<64x1x512xf32, #tpu.memory_space<hbm>> -> memref<64x512xf32, #tpu.memory_space<hbm>>
      %dma_wait3A_68 = arith.constant 0 : i32
      %dma_wait3A_69 = tpu.memref_slice %arg2[%mul3A_65, %add3A, %dma_wait3A_68] : memref<1024x32x512xf32, #tpu.memory_space<hbm>> -> memref<64x1x512xf32, #tpu.memory_space<hbm>>
      %dma_wait3A_70 = tpu.memref_squeeze %dma_wait3A_69 : memref<64x1x512xf32, #tpu.memory_space<hbm>> -> memref<64x512xf32, #tpu.memory_space<hbm>>
      tpu.wait_dma2 semaphore(%arg9 : memref<!tpu.dma_semaphore, #tpu.memory_space<semaphore_mem>>) src(%dma_wait3A_70 : memref<64x512xf32, #tpu.memory_space<hbm>>) dst(%arg5 : memref<64x512xf32, #tpu.memory_space<vmem>>)
      %add3A_71 = arith.constant 1 : i32
      %add3A_72 = arith.addi %while3A_63, %add3A_71 : i32
      %lt3A = arith.cmpi slt, %add3A_72, %select_n3A : i32
      %convert_element_type3A_73 = arith.extui %lt3A : i1 to i32
      %cond3A_74 = arith.constant 0 : i32
      %cond3A_75 = arith.cmpi ne, %convert_element_type3A_73, %cond3A_74 : i32
      scf.if %cond3A_75 {
        %add3A_165 = arith.constant 1 : i32
        %add3A_166 = arith.addi %while3A_63, %add3A_165 : i32
        %jit3A_167 = arith.constant 2 : i32
        %eq3A_168 = arith.constant 0 : i32
        %eq3A_169 = arith.cmpi eq, %jit3A_167, %eq3A_168 : i32
        %jit3A_170 = arith.constant 1 : i32
        %select_n3A_171 = arith.select %eq3A_169, %jit3A_170, %jit3A_167 : i32
        %rem3A_172 = arith.remsi %add3A_166, %select_n3A_171 : i32
        %ne3A_173 = arith.constant 0 : i32
        %ne3A_174 = arith.cmpi ne, %rem3A_172, %ne3A_173 : i32
        %lt3A_175 = arith.constant 0 : i32
        %lt3A_176 = arith.cmpi slt, %rem3A_172, %lt3A_175 : i32
        %lt3A_177 = arith.constant 0 : i32
        %lt3A_178 = arith.cmpi slt, %select_n3A_171, %lt3A_177 : i32
        %ne3A_179 = arith.xori %lt3A_176, %lt3A_178 : i1
        %and3A_180 = arith.andi %ne3A_179, %ne3A_174 : i1
        %add3A_181 = arith.addi %rem3A_172, %select_n3A_171 : i32
        %select_n3A_182 = arith.select %and3A_180, %add3A_181, %rem3A_172 : i32
        %eq3A_183 = arith.constant 0 : i32
        %eq3A_184 = arith.cmpi eq, %select_n3A_182, %eq3A_183 : i32
        %convert_element_type3A_185 = arith.extui %eq3A_184 : i1 to i32
        %cond3A_186 = arith.constant 0 : i32
        %cond3A_187 = arith.cmpi ne, %convert_element_type3A_185, %cond3A_186 : i32
        scf.if %cond3A_187 {
          %add3A_209 = arith.constant 64 : i32
          %add3A_210 = arith.addi %mul3A_65, %add3A_209 : i32
          %dma_start3A = arith.constant 0 : i32
          %dma_start3A_211 = tpu.memref_slice %arg2[%add3A_210, %add3A, %dma_start3A] : memref<1024x32x512xf32, #tpu.memory_space<hbm>> -> memref<64x1x512xf32, #tpu.memory_space<hbm>>
          %dma_start3A_212 = tpu.memref_squeeze %dma_start3A_211 : memref<64x1x512xf32, #tpu.memory_space<hbm>> -> memref<64x512xf32, #tpu.memory_space<hbm>>
          %dma_start3A_213 = arith.constant 0 : i32
          %dma_start3A_214 = tpu.memref_slice %arg2[%add3A_210, %add3A, %dma_start3A_213] : memref<1024x32x512xf32, #tpu.memory_space<hbm>> -> memref<64x1x512xf32, #tpu.memory_space<hbm>>
          %dma_start3A_215 = tpu.memref_squeeze %dma_start3A_214 : memref<64x1x512xf32, #tpu.memory_space<hbm>> -> memref<64x512xf32, #tpu.memory_space<hbm>>
          tpu.enqueue_dma source(%dma_start3A_215 : memref<64x512xf32, #tpu.memory_space<hbm>>) target(%arg5 : memref<64x512xf32, #tpu.memory_space<vmem>>) target_semaphore(%arg9 : memref<!tpu.dma_semaphore, #tpu.memory_space<semaphore_mem>>)
        } else {
        }
        %jit3A_188 = arith.constant 2 : i32
        %eq3A_189 = arith.constant 0 : i32
        %eq3A_190 = arith.cmpi eq, %jit3A_188, %eq3A_189 : i32
        %jit3A_191 = arith.constant 1 : i32
        %select_n3A_192 = arith.select %eq3A_190, %jit3A_191, %jit3A_188 : i32
        %rem3A_193 = arith.remsi %add3A_166, %select_n3A_192 : i32
        %ne3A_194 = arith.constant 0 : i32
        %ne3A_195 = arith.cmpi ne, %rem3A_193, %ne3A_194 : i32
        %lt3A_196 = arith.constant 0 : i32
        %lt3A_197 = arith.cmpi slt, %rem3A_193, %lt3A_196 : i32
        %lt3A_198 = arith.constant 0 : i32
        %lt3A_199 = arith.cmpi slt, %select_n3A_192, %lt3A_198 : i32
        %ne3A_200 = arith.xori %lt3A_197, %lt3A_199 : i1
        %and3A_201 = arith.andi %ne3A_200, %ne3A_195 : i1
        %add3A_202 = arith.addi %rem3A_193, %select_n3A_192 : i32
        %select_n3A_203 = arith.select %and3A_201, %add3A_202, %rem3A_193 : i32
        %eq3A_204 = arith.constant 1 : i32
        %eq3A_205 = arith.cmpi eq, %select_n3A_203, %eq3A_204 : i32
        %convert_element_type3A_206 = arith.extui %eq3A_205 : i1 to i32
        %cond3A_207 = arith.constant 0 : i32
        %cond3A_208 = arith.cmpi ne, %convert_element_type3A_206, %cond3A_207 : i32
        scf.if %cond3A_208 {
          %add3A_209 = arith.constant 64 : i32
          %add3A_210 = arith.addi %mul3A_65, %add3A_209 : i32
          %dma_start3A = arith.constant 0 : i32
          %dma_start3A_211 = tpu.memref_slice %arg2[%add3A_210, %add3A, %dma_start3A] : memref<1024x32x512xf32, #tpu.memory_space<hbm>> -> memref<64x1x512xf32, #tpu.memory_space<hbm>>
          %dma_start3A_212 = tpu.memref_squeeze %dma_start3A_211 : memref<64x1x512xf32, #tpu.memory_space<hbm>> -> memref<64x512xf32, #tpu.memory_space<hbm>>
          %dma_start3A_213 = arith.constant 0 : i32
          %dma_start3A_214 = tpu.memref_slice %arg2[%add3A_210, %add3A, %dma_start3A_213] : memref<1024x32x512xf32, #tpu.memory_space<hbm>> -> memref<64x1x512xf32, #tpu.memory_space<hbm>>
          %dma_start3A_215 = tpu.memref_squeeze %dma_start3A_214 : memref<64x1x512xf32, #tpu.memory_space<hbm>> -> memref<64x512xf32, #tpu.memory_space<hbm>>
          tpu.enqueue_dma source(%dma_start3A_215 : memref<64x512xf32, #tpu.memory_space<hbm>>) target(%arg6 : memref<64x512xf32, #tpu.memory_space<vmem>>) target_semaphore(%arg9 : memref<!tpu.dma_semaphore, #tpu.memory_space<semaphore_mem>>)
        } else {
        }
      } else {
      }
      %add3A_76 = arith.constant 64 : i32
      %add3A_77 = arith.addi %mul3A_65, %add3A_76 : i32
      %gt3A_78 = arith.cmpi sgt, %add3A_77, %squeeze3A : i32
      %convert_element_type3A_79 = arith.extui %gt3A_78 : i1 to i32
      %cond3A_80 = arith.constant 0 : i32
      %cond3A_81 = arith.cmpi ne, %convert_element_type3A_79, %cond3A_80 : i32
      scf.if %cond3A_81 {
        %sub3A_165 = arith.subi %squeeze3A, %mul3A_65 : i32
        %mul3A_166 = arith.constant 32 : i32
        %mul3A_167 = arith.muli %sub3A_165, %mul3A_166 : i32
        %while3A_168 = arith.constant 0 : i32
        %while3A_169 = arith.constant 2048 : i32
        %while3A_170 = arith.subi %while3A_169, %mul3A_167 : i32
        %while3A_171 = arith.addi %mul3A_167, %while3A_170 : i32
        %while3A_172 = arith.constant 1 : i32
        %while3A_173 = arith.divsi %while3A_170, %while3A_172 : i32
        %while3A_174 = arith.muli %while3A_173, %while3A_172 : i32
        %while3A_175 = arith.addi %mul3A_167, %while3A_174 : i32
        %while3A_176 = arith.constant 1 : i32
        scf.for %while3A_178 = %mul3A_167 to %while3A_175 step %while3A_176  : i32 {
          %jit3A_179 = arith.constant 2 : i32
          %eq3A_180 = arith.constant 0 : i32
          %eq3A_181 = arith.cmpi eq, %jit3A_179, %eq3A_180 : i32
          %jit3A_182 = arith.constant 1 : i32
          %select_n3A_183 = arith.select %eq3A_181, %jit3A_182, %jit3A_179 : i32
          %rem3A_184 = arith.remsi %while3A_63, %select_n3A_183 : i32
          %ne3A_185 = arith.constant 0 : i32
          %ne3A_186 = arith.cmpi ne, %rem3A_184, %ne3A_185 : i32
          %lt3A_187 = arith.constant 0 : i32
          %lt3A_188 = arith.cmpi slt, %rem3A_184, %lt3A_187 : i32
          %lt3A_189 = arith.constant 0 : i32
          %lt3A_190 = arith.cmpi slt, %select_n3A_183, %lt3A_189 : i32
          %ne3A_191 = arith.xori %lt3A_188, %lt3A_190 : i1
          %and3A_192 = arith.andi %ne3A_191, %ne3A_186 : i1
          %add3A_193 = arith.addi %rem3A_184, %select_n3A_183 : i32
          %select_n3A_194 = arith.select %and3A_192, %add3A_193, %rem3A_184 : i32
          %eq3A_195 = arith.constant 0 : i32
          %eq3A_196 = arith.cmpi eq, %select_n3A_194, %eq3A_195 : i32
          %convert_element_type3A_197 = arith.extui %eq3A_196 : i1 to i32
          %cond3A_198 = arith.constant 0 : i32
          %cond3A_199 = arith.cmpi ne, %convert_element_type3A_197, %cond3A_198 : i32
          scf.if %cond3A_199 {
            %jit3A_221 = arith.constant 32 : i32
            %div3A_222 = arith.divsi %while3A_178, %jit3A_221 : i32
            %sign3A_223 = arith.constant 0 : i32
            %sign3A_224 = arith.cmpi sgt, %while3A_178, %sign3A_223 : i32
            %sign3A_225 = arith.extui %sign3A_224 : i1 to i32
            %sign3A_226 = arith.constant 0 : i32
            %sign3A_227 = arith.cmpi slt, %while3A_178, %sign3A_226 : i32
            %sign3A_228 = arith.extui %sign3A_227 : i1 to i32
            %sign3A_229 = arith.subi %sign3A_225, %sign3A_228 : i32
            %sign3A_230 = arith.constant 0 : i32
            %sign3A_231 = arith.cmpi sgt, %jit3A_221, %sign3A_230 : i32
            %sign3A_232 = arith.extui %sign3A_231 : i1 to i32
            %sign3A_233 = arith.constant 0 : i32
            %sign3A_234 = arith.cmpi slt, %jit3A_221, %sign3A_233 : i32
            %sign3A_235 = arith.extui %sign3A_234 : i1 to i32
            %sign3A_236 = arith.subi %sign3A_232, %sign3A_235 : i32
            %ne3A_237 = arith.cmpi ne, %sign3A_229, %sign3A_236 : i32
            %rem3A_238 = arith.remsi %while3A_178, %jit3A_221 : i32
            %ne3A_239 = arith.constant 0 : i32
            %ne3A_240 = arith.cmpi ne, %rem3A_238, %ne3A_239 : i32
            %and3A_241 = arith.andi %ne3A_237, %ne3A_240 : i1
            %sub3A_242 = arith.constant 1 : i32
            %sub3A_243 = arith.subi %div3A_222, %sub3A_242 : i32
            %select_n3A_244 = arith.select %and3A_241, %sub3A_243, %div3A_222 : i32
            %jit3A_245 = arith.constant 32 : i32
            %eq3A_246 = arith.constant 0 : i32
            %eq3A_247 = arith.cmpi eq, %jit3A_245, %eq3A_246 : i32
            %jit3A_248 = arith.constant 1 : i32
            %select_n3A_249 = arith.select %eq3A_247, %jit3A_248, %jit3A_245 : i32
            %rem3A_250 = arith.remsi %while3A_178, %select_n3A_249 : i32
            %ne3A_251 = arith.constant 0 : i32
            %ne3A_252 = arith.cmpi ne, %rem3A_250, %ne3A_251 : i32
            %lt3A_253 = arith.constant 0 : i32
            %lt3A_254 = arith.cmpi slt, %rem3A_250, %lt3A_253 : i32
            %lt3A_255 = arith.constant 0 : i32
            %lt3A_256 = arith.cmpi slt, %select_n3A_249, %lt3A_255 : i32
            %ne3A_257 = arith.xori %lt3A_254, %lt3A_256 : i1
            %and3A_258 = arith.andi %ne3A_257, %ne3A_252 : i1
            %add3A_259 = arith.addi %rem3A_250, %select_n3A_249 : i32
            %select_n3A_260 = arith.select %and3A_258, %add3A_259, %rem3A_250 : i32
            %mul3A_261 = arith.constant 16 : i32
            %mul3A_262 = arith.muli %select_n3A_260, %mul3A_261 : i32
            %swap3A = arith.index_cast %select_n3A_244 : i32 to index
            %swap3A_263 = arith.index_cast %mul3A_262 : i32 to index
            %swap3A_264 = tpu.vector_load %arg5[%swap3A, %swap3A_263] {strides = array<i32>} : memref<64x512xf32, #tpu.memory_space<vmem>>, vector<1x16xf32>,
            %swap3A_265 = vector.shape_cast %swap3A_264 : vector<1x16xf32> to vector<16xf32>
            %swap3A_266 = vector.shape_cast %broadcast_in_dim3A_26 : vector<16xf32> to vector<1x16xf32>
            tpu.vector_store %arg5[%swap3A, %swap3A_263], %swap3A_266 {strides = array<i32>} : memref<64x512xf32, #tpu.memory_space<vmem>>, vector<1x16xf32>,
          } else {
          }
          %jit3A_200 = arith.constant 2 : i32
          %eq3A_201 = arith.constant 0 : i32
          %eq3A_202 = arith.cmpi eq, %jit3A_200, %eq3A_201 : i32
          %jit3A_203 = arith.constant 1 : i32
          %select_n3A_204 = arith.select %eq3A_202, %jit3A_203, %jit3A_200 : i32
          %rem3A_205 = arith.remsi %while3A_63, %select_n3A_204 : i32
          %ne3A_206 = arith.constant 0 : i32
          %ne3A_207 = arith.cmpi ne, %rem3A_205, %ne3A_206 : i32
          %lt3A_208 = arith.constant 0 : i32
          %lt3A_209 = arith.cmpi slt, %rem3A_205, %lt3A_208 : i32
          %lt3A_210 = arith.constant 0 : i32
          %lt3A_211 = arith.cmpi slt, %select_n3A_204, %lt3A_210 : i32
          %ne3A_212 = arith.xori %lt3A_209, %lt3A_211 : i1
          %and3A_213 = arith.andi %ne3A_212, %ne3A_207 : i1
          %add3A_214 = arith.addi %rem3A_205, %select_n3A_204 : i32
          %select_n3A_215 = arith.select %and3A_213, %add3A_214, %rem3A_205 : i32
          %eq3A_216 = arith.constant 1 : i32
          %eq3A_217 = arith.cmpi eq, %select_n3A_215, %eq3A_216 : i32
          %convert_element_type3A_218 = arith.extui %eq3A_217 : i1 to i32
          %cond3A_219 = arith.constant 0 : i32
          %cond3A_220 = arith.cmpi ne, %convert_element_type3A_218, %cond3A_219 : i32
          scf.if %cond3A_220 {
            %jit3A_221 = arith.constant 32 : i32
            %div3A_222 = arith.divsi %while3A_178, %jit3A_221 : i32
            %sign3A_223 = arith.constant 0 : i32
            %sign3A_224 = arith.cmpi sgt, %while3A_178, %sign3A_223 : i32
            %sign3A_225 = arith.extui %sign3A_224 : i1 to i32
            %sign3A_226 = arith.constant 0 : i32
            %sign3A_227 = arith.cmpi slt, %while3A_178, %sign3A_226 : i32
            %sign3A_228 = arith.extui %sign3A_227 : i1 to i32
            %sign3A_229 = arith.subi %sign3A_225, %sign3A_228 : i32
            %sign3A_230 = arith.constant 0 : i32
            %sign3A_231 = arith.cmpi sgt, %jit3A_221, %sign3A_230 : i32
            %sign3A_232 = arith.extui %sign3A_231 : i1 to i32
            %sign3A_233 = arith.constant 0 : i32
            %sign3A_234 = arith.cmpi slt, %jit3A_221, %sign3A_233 : i32
            %sign3A_235 = arith.extui %sign3A_234 : i1 to i32
            %sign3A_236 = arith.subi %sign3A_232, %sign3A_235 : i32
            %ne3A_237 = arith.cmpi ne, %sign3A_229, %sign3A_236 : i32
            %rem3A_238 = arith.remsi %while3A_178, %jit3A_221 : i32
            %ne3A_239 = arith.constant 0 : i32
            %ne3A_240 = arith.cmpi ne, %rem3A_238, %ne3A_239 : i32
            %and3A_241 = arith.andi %ne3A_237, %ne3A_240 : i1
            %sub3A_242 = arith.constant 1 : i32
            %sub3A_243 = arith.subi %div3A_222, %sub3A_242 : i32
            %select_n3A_244 = arith.select %and3A_241, %sub3A_243, %div3A_222 : i32
            %jit3A_245 = arith.constant 32 : i32
            %eq3A_246 = arith.constant 0 : i32
            %eq3A_247 = arith.cmpi eq, %jit3A_245, %eq3A_246 : i32
            %jit3A_248 = arith.constant 1 : i32
            %select_n3A_249 = arith.select %eq3A_247, %jit3A_248, %jit3A_245 : i32
            %rem3A_250 = arith.remsi %while3A_178, %select_n3A_249 : i32
            %ne3A_251 = arith.constant 0 : i32
            %ne3A_252 = arith.cmpi ne, %rem3A_250, %ne3A_251 : i32
            %lt3A_253 = arith.constant 0 : i32
            %lt3A_254 = arith.cmpi slt, %rem3A_250, %lt3A_253 : i32
            %lt3A_255 = arith.constant 0 : i32
            %lt3A_256 = arith.cmpi slt, %select_n3A_249, %lt3A_255 : i32
            %ne3A_257 = arith.xori %lt3A_254, %lt3A_256 : i1
            %and3A_258 = arith.andi %ne3A_257, %ne3A_252 : i1
            %add3A_259 = arith.addi %rem3A_250, %select_n3A_249 : i32
            %select_n3A_260 = arith.select %and3A_258, %add3A_259, %rem3A_250 : i32
            %mul3A_261 = arith.constant 16 : i32
            %mul3A_262 = arith.muli %select_n3A_260, %mul3A_261 : i32
            %swap3A = arith.index_cast %select_n3A_244 : i32 to index
            %swap3A_263 = arith.index_cast %mul3A_262 : i32 to index
            %swap3A_264 = tpu.vector_load %arg6[%swap3A, %swap3A_263] {strides = array<i32>} : memref<64x512xf32, #tpu.memory_space<vmem>>, vector<1x16xf32>,
            %swap3A_265 = vector.shape_cast %swap3A_264 : vector<1x16xf32> to vector<16xf32>
            %swap3A_266 = vector.shape_cast %broadcast_in_dim3A_26 : vector<16xf32> to vector<1x16xf32>
            tpu.vector_store %arg6[%swap3A, %swap3A_263], %swap3A_266 {strides = array<i32>} : memref<64x512xf32, #tpu.memory_space<vmem>>, vector<1x16xf32>,
          } else {
          }
        }
        %while3A_177 = arith.constant 1 : i32
        scf.for %while3A_178 = %while3A_175 to %while3A_171 step %while3A_177  : i32 {
          %jit3A_179 = arith.constant 2 : i32
          %eq3A_180 = arith.constant 0 : i32
          %eq3A_181 = arith.cmpi eq, %jit3A_179, %eq3A_180 : i32
          %jit3A_182 = arith.constant 1 : i32
          %select_n3A_183 = arith.select %eq3A_181, %jit3A_182, %jit3A_179 : i32
          %rem3A_184 = arith.remsi %while3A_63, %select_n3A_183 : i32
          %ne3A_185 = arith.constant 0 : i32
          %ne3A_186 = arith.cmpi ne, %rem3A_184, %ne3A_185 : i32
          %lt3A_187 = arith.constant 0 : i32
          %lt3A_188 = arith.cmpi slt, %rem3A_184, %lt3A_187 : i32
          %lt3A_189 = arith.constant 0 : i32
          %lt3A_190 = arith.cmpi slt, %select_n3A_183, %lt3A_189 : i32
          %ne3A_191 = arith.xori %lt3A_188, %lt3A_190 : i1
          %and3A_192 = arith.andi %ne3A_191, %ne3A_186 : i1
          %add3A_193 = arith.addi %rem3A_184, %select_n3A_183 : i32
          %select_n3A_194 = arith.select %and3A_192, %add3A_193, %rem3A_184 : i32
          %eq3A_195 = arith.constant 0 : i32
          %eq3A_196 = arith.cmpi eq, %select_n3A_194, %eq3A_195 : i32
          %convert_element_type3A_197 = arith.extui %eq3A_196 : i1 to i32
          %cond3A_198 = arith.constant 0 : i32
          %cond3A_199 = arith.cmpi ne, %convert_element_type3A_197, %cond3A_198 : i32
          scf.if %cond3A_199 {
            %jit3A_221 = arith.constant 32 : i32
            %div3A_222 = arith.divsi %while3A_178, %jit3A_221 : i32
            %sign3A_223 = arith.constant 0 : i32
            %sign3A_224 = arith.cmpi sgt, %while3A_178, %sign3A_223 : i32
            %sign3A_225 = arith.extui %sign3A_224 : i1 to i32
            %sign3A_226 = arith.constant 0 : i32
            %sign3A_227 = arith.cmpi slt, %while3A_178, %sign3A_226 : i32
            %sign3A_228 = arith.extui %sign3A_227 : i1 to i32
            %sign3A_229 = arith.subi %sign3A_225, %sign3A_228 : i32
            %sign3A_230 = arith.constant 0 : i32
            %sign3A_231 = arith.cmpi sgt, %jit3A_221, %sign3A_230 : i32
            %sign3A_232 = arith.extui %sign3A_231 : i1 to i32
            %sign3A_233 = arith.constant 0 : i32
            %sign3A_234 = arith.cmpi slt, %jit3A_221, %sign3A_233 : i32
            %sign3A_235 = arith.extui %sign3A_234 : i1 to i32
            %sign3A_236 = arith.subi %sign3A_232, %sign3A_235 : i32
            %ne3A_237 = arith.cmpi ne, %sign3A_229, %sign3A_236 : i32
            %rem3A_238 = arith.remsi %while3A_178, %jit3A_221 : i32
            %ne3A_239 = arith.constant 0 : i32
            %ne3A_240 = arith.cmpi ne, %rem3A_238, %ne3A_239 : i32
            %and3A_241 = arith.andi %ne3A_237, %ne3A_240 : i1
            %sub3A_242 = arith.constant 1 : i32
            %sub3A_243 = arith.subi %div3A_222, %sub3A_242 : i32
            %select_n3A_244 = arith.select %and3A_241, %sub3A_243, %div3A_222 : i32
            %jit3A_245 = arith.constant 32 : i32
            %eq3A_246 = arith.constant 0 : i32
            %eq3A_247 = arith.cmpi eq, %jit3A_245, %eq3A_246 : i32
            %jit3A_248 = arith.constant 1 : i32
            %select_n3A_249 = arith.select %eq3A_247, %jit3A_248, %jit3A_245 : i32
            %rem3A_250 = arith.remsi %while3A_178, %select_n3A_249 : i32
            %ne3A_251 = arith.constant 0 : i32
            %ne3A_252 = arith.cmpi ne, %rem3A_250, %ne3A_251 : i32
            %lt3A_253 = arith.constant 0 : i32
            %lt3A_254 = arith.cmpi slt, %rem3A_250, %lt3A_253 : i32
            %lt3A_255 = arith.constant 0 : i32
            %lt3A_256 = arith.cmpi slt, %select_n3A_249, %lt3A_255 : i32
            %ne3A_257 = arith.xori %lt3A_254, %lt3A_256 : i1
            %and3A_258 = arith.andi %ne3A_257, %ne3A_252 : i1
            %add3A_259 = arith.addi %rem3A_250, %select_n3A_249 : i32
            %select_n3A_260 = arith.select %and3A_258, %add3A_259, %rem3A_250 : i32
            %mul3A_261 = arith.constant 16 : i32
            %mul3A_262 = arith.muli %select_n3A_260, %mul3A_261 : i32
            %swap3A = arith.index_cast %select_n3A_244 : i32 to index
            %swap3A_263 = arith.index_cast %mul3A_262 : i32 to index
            %swap3A_264 = tpu.vector_load %arg5[%swap3A, %swap3A_263] {strides = array<i32>} : memref<64x512xf32, #tpu.memory_space<vmem>>, vector<1x16xf32>,
            %swap3A_265 = vector.shape_cast %swap3A_264 : vector<1x16xf32> to vector<16xf32>
            %swap3A_266 = vector.shape_cast %broadcast_in_dim3A_26 : vector<16xf32> to vector<1x16xf32>
            tpu.vector_store %arg5[%swap3A, %swap3A_263], %swap3A_266 {strides = array<i32>} : memref<64x512xf32, #tpu.memory_space<vmem>>, vector<1x16xf32>,
          } else {
          }
          %jit3A_200 = arith.constant 2 : i32
          %eq3A_201 = arith.constant 0 : i32
          %eq3A_202 = arith.cmpi eq, %jit3A_200, %eq3A_201 : i32
          %jit3A_203 = arith.constant 1 : i32
          %select_n3A_204 = arith.select %eq3A_202, %jit3A_203, %jit3A_200 : i32
          %rem3A_205 = arith.remsi %while3A_63, %select_n3A_204 : i32
          %ne3A_206 = arith.constant 0 : i32
          %ne3A_207 = arith.cmpi ne, %rem3A_205, %ne3A_206 : i32
          %lt3A_208 = arith.constant 0 : i32
          %lt3A_209 = arith.cmpi slt, %rem3A_205, %lt3A_208 : i32
          %lt3A_210 = arith.constant 0 : i32
          %lt3A_211 = arith.cmpi slt, %select_n3A_204, %lt3A_210 : i32
          %ne3A_212 = arith.xori %lt3A_209, %lt3A_211 : i1
          %and3A_213 = arith.andi %ne3A_212, %ne3A_207 : i1
          %add3A_214 = arith.addi %rem3A_205, %select_n3A_204 : i32
          %select_n3A_215 = arith.select %and3A_213, %add3A_214, %rem3A_205 : i32
          %eq3A_216 = arith.constant 1 : i32
          %eq3A_217 = arith.cmpi eq, %select_n3A_215, %eq3A_216 : i32
          %convert_element_type3A_218 = arith.extui %eq3A_217 : i1 to i32
          %cond3A_219 = arith.constant 0 : i32
          %cond3A_220 = arith.cmpi ne, %convert_element_type3A_218, %cond3A_219 : i32
          scf.if %cond3A_220 {
            %jit3A_221 = arith.constant 32 : i32
            %div3A_222 = arith.divsi %while3A_178, %jit3A_221 : i32
            %sign3A_223 = arith.constant 0 : i32
            %sign3A_224 = arith.cmpi sgt, %while3A_178, %sign3A_223 : i32
            %sign3A_225 = arith.extui %sign3A_224 : i1 to i32
            %sign3A_226 = arith.constant 0 : i32
            %sign3A_227 = arith.cmpi slt, %while3A_178, %sign3A_226 : i32
            %sign3A_228 = arith.extui %sign3A_227 : i1 to i32
            %sign3A_229 = arith.subi %sign3A_225, %sign3A_228 : i32
            %sign3A_230 = arith.constant 0 : i32
            %sign3A_231 = arith.cmpi sgt, %jit3A_221, %sign3A_230 : i32
            %sign3A_232 = arith.extui %sign3A_231 : i1 to i32
            %sign3A_233 = arith.constant 0 : i32
            %sign3A_234 = arith.cmpi slt, %jit3A_221, %sign3A_233 : i32
            %sign3A_235 = arith.extui %sign3A_234 : i1 to i32
            %sign3A_236 = arith.subi %sign3A_232, %sign3A_235 : i32
            %ne3A_237 = arith.cmpi ne, %sign3A_229, %sign3A_236 : i32
            %rem3A_238 = arith.remsi %while3A_178, %jit3A_221 : i32
            %ne3A_239 = arith.constant 0 : i32
            %ne3A_240 = arith.cmpi ne, %rem3A_238, %ne3A_239 : i32
            %and3A_241 = arith.andi %ne3A_237, %ne3A_240 : i1
            %sub3A_242 = arith.constant 1 : i32
            %sub3A_243 = arith.subi %div3A_222, %sub3A_242 : i32
            %select_n3A_244 = arith.select %and3A_241, %sub3A_243, %div3A_222 : i32
            %jit3A_245 = arith.constant 32 : i32
            %eq3A_246 = arith.constant 0 : i32
            %eq3A_247 = arith.cmpi eq, %jit3A_245, %eq3A_246 : i32
            %jit3A_248 = arith.constant 1 : i32
            %select_n3A_249 = arith.select %eq3A_247, %jit3A_248, %jit3A_245 : i32
            %rem3A_250 = arith.remsi %while3A_178, %select_n3A_249 : i32
            %ne3A_251 = arith.constant 0 : i32
            %ne3A_252 = arith.cmpi ne, %rem3A_250, %ne3A_251 : i32
            %lt3A_253 = arith.constant 0 : i32
            %lt3A_254 = arith.cmpi slt, %rem3A_250, %lt3A_253 : i32
            %lt3A_255 = arith.constant 0 : i32
            %lt3A_256 = arith.cmpi slt, %select_n3A_249, %lt3A_255 : i32
            %ne3A_257 = arith.xori %lt3A_254, %lt3A_256 : i1
            %and3A_258 = arith.andi %ne3A_257, %ne3A_252 : i1
            %add3A_259 = arith.addi %rem3A_250, %select_n3A_249 : i32
            %select_n3A_260 = arith.select %and3A_258, %add3A_259, %rem3A_250 : i32
            %mul3A_261 = arith.constant 16 : i32
            %mul3A_262 = arith.muli %select_n3A_260, %mul3A_261 : i32
            %swap3A = arith.index_cast %select_n3A_244 : i32 to index
            %swap3A_263 = arith.index_cast %mul3A_262 : i32 to index
            %swap3A_264 = tpu.vector_load %arg6[%swap3A, %swap3A_263] {strides = array<i32>} : memref<64x512xf32, #tpu.memory_space<vmem>>, vector<1x16xf32>,
            %swap3A_265 = vector.shape_cast %swap3A_264 : vector<1x16xf32> to vector<16xf32>
            %swap3A_266 = vector.shape_cast %broadcast_in_dim3A_26 : vector<16xf32> to vector<1x16xf32>
            tpu.vector_store %arg6[%swap3A, %swap3A_263], %swap3A_266 {strides = array<i32>} : memref<64x512xf32, #tpu.memory_space<vmem>>, vector<1x16xf32>,
          } else {
          }
        }
      } else {
      }
      %jit3A_82 = arith.constant 2 : i32
      %eq3A = arith.constant 0 : i32
      %eq3A_83 = arith.cmpi eq, %jit3A_82, %eq3A : i32
      %jit3A_84 = arith.constant 1 : i32
      %select_n3A_85 = arith.select %eq3A_83, %jit3A_84, %jit3A_82 : i32
      %rem3A_86 = arith.remsi %while3A_63, %select_n3A_85 : i32
      %ne3A_87 = arith.constant 0 : i32
      %ne3A_88 = arith.cmpi ne, %rem3A_86, %ne3A_87 : i32
      %lt3A_89 = arith.constant 0 : i32
      %lt3A_90 = arith.cmpi slt, %rem3A_86, %lt3A_89 : i32
      %lt3A_91 = arith.constant 0 : i32
      %lt3A_92 = arith.cmpi slt, %select_n3A_85, %lt3A_91 : i32
      %ne3A_93 = arith.xori %lt3A_90, %lt3A_92 : i1
      %and3A_94 = arith.andi %ne3A_93, %ne3A_88 : i1
      %add3A_95 = arith.addi %rem3A_86, %select_n3A_85 : i32
      %select_n3A_96 = arith.select %and3A_94, %add3A_95, %rem3A_86 : i32
      %eq3A_97 = arith.constant 0 : i32
      %eq3A_98 = arith.cmpi eq, %select_n3A_96, %eq3A_97 : i32
      %convert_element_type3A_99 = arith.extui %eq3A_98 : i1 to i32
      %cond3A_100 = arith.constant 0 : i32
      %cond3A_101 = arith.cmpi ne, %convert_element_type3A_99, %cond3A_100 : i32
      scf.if %cond3A_101 {
        %dma_start3A = arith.constant 0 : i32
        %dma_start3A_165 = tpu.memref_slice %arg4[%mul3A_65, %add3A_3, %dma_start3A] : memref<1024x32x512xf32, #tpu.memory_space<hbm>> -> memref<64x1x512xf32, #tpu.memory_space<hbm>>
        %dma_start3A_166 = tpu.memref_squeeze %dma_start3A_165 : memref<64x1x512xf32, #tpu.memory_space<hbm>> -> memref<64x512xf32, #tpu.memory_space<hbm>>
        %dma_start3A_167 = arith.constant 0 : i32
        %dma_start3A_168 = tpu.memref_slice %arg4[%mul3A_65, %add3A_3, %dma_start3A_167] : memref<1024x32x512xf32, #tpu.memory_space<hbm>> -> memref<64x1x512xf32, #tpu.memory_space<hbm>>
        %dma_start3A_169 = tpu.memref_squeeze %dma_start3A_168 : memref<64x1x512xf32, #tpu.memory_space<hbm>> -> memref<64x512xf32, #tpu.memory_space<hbm>>
        tpu.enqueue_dma source(%arg5 : memref<64x512xf32, #tpu.memory_space<vmem>>) target(%dma_start3A_169 : memref<64x512xf32, #tpu.memory_space<hbm>>) target_semaphore(%arg10 : memref<!tpu.dma_semaphore, #tpu.memory_space<semaphore_mem>>)
      } else {
      }
      %jit3A_102 = arith.constant 2 : i32
      %eq3A_103 = arith.constant 0 : i32
      %eq3A_104 = arith.cmpi eq, %jit3A_102, %eq3A_103 : i32
      %jit3A_105 = arith.constant 1 : i32
      %select_n3A_106 = arith.select %eq3A_104, %jit3A_105, %jit3A_102 : i32
      %rem3A_107 = arith.remsi %while3A_63, %select_n3A_106 : i32
      %ne3A_108 = arith.constant 0 : i32
      %ne3A_109 = arith.cmpi ne, %rem3A_107, %ne3A_108 : i32
      %lt3A_110 = arith.constant 0 : i32
      %lt3A_111 = arith.cmpi slt, %rem3A_107, %lt3A_110 : i32
      %lt3A_112 = arith.constant 0 : i32
      %lt3A_113 = arith.cmpi slt, %select_n3A_106, %lt3A_112 : i32
      %ne3A_114 = arith.xori %lt3A_111, %lt3A_113 : i1
      %and3A_115 = arith.andi %ne3A_114, %ne3A_109 : i1
      %add3A_116 = arith.addi %rem3A_107, %select_n3A_106 : i32
      %select_n3A_117 = arith.select %and3A_115, %add3A_116, %rem3A_107 : i32
      %eq3A_118 = arith.constant 1 : i32
      %eq3A_119 = arith.cmpi eq, %select_n3A_117, %eq3A_118 : i32
      %convert_element_type3A_120 = arith.extui %eq3A_119 : i1 to i32
      %cond3A_121 = arith.constant 0 : i32
      %cond3A_122 = arith.cmpi ne, %convert_element_type3A_120, %cond3A_121 : i32
      scf.if %cond3A_122 {
        %dma_start3A = arith.constant 0 : i32
        %dma_start3A_165 = tpu.memref_slice %arg4[%mul3A_65, %add3A_3, %dma_start3A] : memref<1024x32x512xf32, #tpu.memory_space<hbm>> -> memref<64x1x512xf32, #tpu.memory_space<hbm>>
        %dma_start3A_166 = tpu.memref_squeeze %dma_start3A_165 : memref<64x1x512xf32, #tpu.memory_space<hbm>> -> memref<64x512xf32, #tpu.memory_space<hbm>>
        %dma_start3A_167 = arith.constant 0 : i32
        %dma_start3A_168 = tpu.memref_slice %arg4[%mul3A_65, %add3A_3, %dma_start3A_167] : memref<1024x32x512xf32, #tpu.memory_space<hbm>> -> memref<64x1x512xf32, #tpu.memory_space<hbm>>
        %dma_start3A_169 = tpu.memref_squeeze %dma_start3A_168 : memref<64x1x512xf32, #tpu.memory_space<hbm>> -> memref<64x512xf32, #tpu.memory_space<hbm>>
        tpu.enqueue_dma source(%arg6 : memref<64x512xf32, #tpu.memory_space<vmem>>) target(%dma_start3A_169 : memref<64x512xf32, #tpu.memory_space<hbm>>) target_semaphore(%arg10 : memref<!tpu.dma_semaphore, #tpu.memory_space<semaphore_mem>>)
      } else {
      }
      %jit3A_123 = arith.constant 2 : i32
      %eq3A_124 = arith.constant 0 : i32
      %eq3A_125 = arith.cmpi eq, %jit3A_123, %eq3A_124 : i32
      %jit3A_126 = arith.constant 1 : i32
      %select_n3A_127 = arith.select %eq3A_125, %jit3A_126, %jit3A_123 : i32
      %rem3A_128 = arith.remsi %while3A_63, %select_n3A_127 : i32
      %ne3A_129 = arith.constant 0 : i32
      %ne3A_130 = arith.cmpi ne, %rem3A_128, %ne3A_129 : i32
      %lt3A_131 = arith.constant 0 : i32
      %lt3A_132 = arith.cmpi slt, %rem3A_128, %lt3A_131 : i32
      %lt3A_133 = arith.constant 0 : i32
      %lt3A_134 = arith.cmpi slt, %select_n3A_127, %lt3A_133 : i32
      %ne3A_135 = arith.xori %lt3A_132, %lt3A_134 : i1
      %and3A_136 = arith.andi %ne3A_135, %ne3A_130 : i1
      %add3A_137 = arith.addi %rem3A_128, %select_n3A_127 : i32
      %select_n3A_138 = arith.select %and3A_136, %add3A_137, %rem3A_128 : i32
      %eq3A_139 = arith.constant 0 : i32
      %eq3A_140 = arith.cmpi eq, %select_n3A_138, %eq3A_139 : i32
      %convert_element_type3A_141 = arith.extui %eq3A_140 : i1 to i32
      %cond3A_142 = arith.constant 0 : i32
      %cond3A_143 = arith.cmpi ne, %convert_element_type3A_141, %cond3A_142 : i32
      scf.if %cond3A_143 {
        %dma_wait3A_165 = arith.constant 0 : i32
        %dma_wait3A_166 = tpu.memref_slice %arg4[%mul3A_65, %add3A_3, %dma_wait3A_165] : memref<1024x32x512xf32, #tpu.memory_space<hbm>> -> memref<64x1x512xf32, #tpu.memory_space<hbm>>
        %dma_wait3A_167 = tpu.memref_squeeze %dma_wait3A_166 : memref<64x1x512xf32, #tpu.memory_space<hbm>> -> memref<64x512xf32, #tpu.memory_space<hbm>>
        %dma_wait3A_168 = arith.constant 0 : i32
        %dma_wait3A_169 = tpu.memref_slice %arg4[%mul3A_65, %add3A_3, %dma_wait3A_168] : memref<1024x32x512xf32, #tpu.memory_space<hbm>> -> memref<64x1x512xf32, #tpu.memory_space<hbm>>
        %dma_wait3A_170 = tpu.memref_squeeze %dma_wait3A_169 : memref<64x1x512xf32, #tpu.memory_space<hbm>> -> memref<64x512xf32, #tpu.memory_space<hbm>>
        tpu.wait_dma2 semaphore(%arg10 : memref<!tpu.dma_semaphore, #tpu.memory_space<semaphore_mem>>) src(%arg5 : memref<64x512xf32, #tpu.memory_space<vmem>>) dst(%dma_wait3A_170 : memref<64x512xf32, #tpu.memory_space<hbm>>)
      } else {
      }
      %jit3A_144 = arith.constant 2 : i32
      %eq3A_145 = arith.constant 0 : i32
      %eq3A_146 = arith.cmpi eq, %jit3A_144, %eq3A_145 : i32
      %jit3A_147 = arith.constant 1 : i32
      %select_n3A_148 = arith.select %eq3A_146, %jit3A_147, %jit3A_144 : i32
      %rem3A_149 = arith.remsi %while3A_63, %select_n3A_148 : i32
      %ne3A_150 = arith.constant 0 : i32
      %ne3A_151 = arith.cmpi ne, %rem3A_149, %ne3A_150 : i32
      %lt3A_152 = arith.constant 0 : i32
      %lt3A_153 = arith.cmpi slt, %rem3A_149, %lt3A_152 : i32
      %lt3A_154 = arith.constant 0 : i32
      %lt3A_155 = arith.cmpi slt, %select_n3A_148, %lt3A_154 : i32
      %ne3A_156 = arith.xori %lt3A_153, %lt3A_155 : i1
      %and3A_157 = arith.andi %ne3A_156, %ne3A_151 : i1
      %add3A_158 = arith.addi %rem3A_149, %select_n3A_148 : i32
      %select_n3A_159 = arith.select %and3A_157, %add3A_158, %rem3A_149 : i32
      %eq3A_160 = arith.constant 1 : i32
      %eq3A_161 = arith.cmpi eq, %select_n3A_159, %eq3A_160 : i32
      %convert_element_type3A_162 = arith.extui %eq3A_161 : i1 to i32
      %cond3A_163 = arith.constant 0 : i32
      %cond3A_164 = arith.cmpi ne, %convert_element_type3A_162, %cond3A_163 : i32
      scf.if %cond3A_164 {
        %dma_wait3A_165 = arith.constant 0 : i32
        %dma_wait3A_166 = tpu.memref_slice %arg4[%mul3A_65, %add3A_3, %dma_wait3A_165] : memref<1024x32x512xf32, #tpu.memory_space<hbm>> -> memref<64x1x512xf32, #tpu.memory_space<hbm>>
        %dma_wait3A_167 = tpu.memref_squeeze %dma_wait3A_166 : memref<64x1x512xf32, #tpu.memory_space<hbm>> -> memref<64x512xf32, #tpu.memory_space<hbm>>
        %dma_wait3A_168 = arith.constant 0 : i32
        %dma_wait3A_169 = tpu.memref_slice %arg4[%mul3A_65, %add3A_3, %dma_wait3A_168] : memref<1024x32x512xf32, #tpu.memory_space<hbm>> -> memref<64x1x512xf32, #tpu.memory_space<hbm>>
        %dma_wait3A_170 = tpu.memref_squeeze %dma_wait3A_169 : memref<64x1x512xf32, #tpu.memory_space<hbm>> -> memref<64x512xf32, #tpu.memory_space<hbm>>
        tpu.wait_dma2 semaphore(%arg10 : memref<!tpu.dma_semaphore, #tpu.memory_space<semaphore_mem>>) src(%arg6 : memref<64x512xf32, #tpu.memory_space<vmem>>) dst(%dma_wait3A_170 : memref<64x512xf32, #tpu.memory_space<hbm>>)
      } else {
      }
    }
    %while3A_53 = arith.constant 0 : i32
    %while3A_54 = arith.constant 16 : i32
    %while3A_55 = arith.subi %while3A_54, %select_n3A : i32
    %while3A_56 = arith.addi %select_n3A, %while3A_55 : i32
    %while3A_57 = arith.constant 1 : i32
    %while3A_58 = arith.divsi %while3A_55, %while3A_57 : i32
    %while3A_59 = arith.muli %while3A_58, %while3A_57 : i32
    %while3A_60 = arith.addi %select_n3A, %while3A_59 : i32
    %while3A_61 = arith.constant 1 : i32
    scf.for %while3A_63 = %select_n3A to %while3A_60 step %while3A_61  : i32 {
      %mul3A_64 = arith.constant 64 : i32
      %mul3A_65 = arith.muli %while3A_63, %mul3A_64 : i32
      %dma_wait3A = arith.constant 0 : i32
      %dma_wait3A_66 = tpu.memref_slice %arg4[%mul3A_65, %add3A_3, %dma_wait3A] : memref<1024x32x512xf32, #tpu.memory_space<hbm>> -> memref<64x1x512xf32, #tpu.memory_space<hbm>>
      %dma_wait3A_67 = tpu.memref_squeeze %dma_wait3A_66 : memref<64x1x512xf32, #tpu.memory_space<hbm>> -> memref<64x512xf32, #tpu.memory_space<hbm>>
      %dma_wait3A_68 = arith.constant 0 : i32
      %dma_wait3A_69 = tpu.memref_slice %arg4[%mul3A_65, %add3A_3, %dma_wait3A_68] : memref<1024x32x512xf32, #tpu.memory_space<hbm>> -> memref<64x1x512xf32, #tpu.memory_space<hbm>>
      %dma_wait3A_70 = tpu.memref_squeeze %dma_wait3A_69 : memref<64x1x512xf32, #tpu.memory_space<hbm>> -> memref<64x512xf32, #tpu.memory_space<hbm>>
      tpu.wait_dma2 semaphore(%arg11 : memref<!tpu.dma_semaphore, #tpu.memory_space<semaphore_mem>>) src(%arg7 : memref<64x512xf32, #tpu.memory_space<vmem>>) dst(%dma_wait3A_70 : memref<64x512xf32, #tpu.memory_space<hbm>>)
    }
    %while3A_62 = arith.constant 1 : i32
    scf.for %while3A_63 = %while3A_60 to %while3A_56 step %while3A_62  : i32 {
      %mul3A_64 = arith.constant 64 : i32
      %mul3A_65 = arith.muli %while3A_63, %mul3A_64 : i32
      %dma_wait3A = arith.constant 0 : i32
      %dma_wait3A_66 = tpu.memref_slice %arg4[%mul3A_65, %add3A_3, %dma_wait3A] : memref<1024x32x512xf32, #tpu.memory_space<hbm>> -> memref<64x1x512xf32, #tpu.memory_space<hbm>>
      %dma_wait3A_67 = tpu.memref_squeeze %dma_wait3A_66 : memref<64x1x512xf32, #tpu.memory_space<hbm>> -> memref<64x512xf32, #tpu.memory_space<hbm>>
      %dma_wait3A_68 = arith.constant 0 : i32
      %dma_wait3A_69 = tpu.memref_slice %arg4[%mul3A_65, %add3A_3, %dma_wait3A_68] : memref<1024x32x512xf32, #tpu.memory_space<hbm>> -> memref<64x1x512xf32, #tpu.memory_space<hbm>>
      %dma_wait3A_70 = tpu.memref_squeeze %dma_wait3A_69 : memref<64x1x512xf32, #tpu.memory_space<hbm>> -> memref<64x512xf32, #tpu.memory_space<hbm>>
      tpu.wait_dma2 semaphore(%arg11 : memref<!tpu.dma_semaphore, #tpu.memory_space<semaphore_mem>>) src(%arg7 : memref<64x512xf32, #tpu.memory_space<vmem>>) dst(%dma_wait3A_70 : memref<64x512xf32, #tpu.memory_space<hbm>>)
    }
    return
  }
}

</mosaic_0001>

<sc_bundles>
// kernel: kernel.3.cloned.1.call-start
scs
__scs_entry_jumppad:
0x0: {  	(pc) =	sbr.rel $0x88, $3  }
0x1: {  	(tag) =	ssettag $0x0;
	lr =	simm.s32 $0x1  }
0x2: {  	[smem:$0x3F9F] =	sst lr;
	_ =	strace $0xD0000000  }
0x3: {  	_ = 	snop  }
0x4: {  	_ = 	snop  }
0x5: {  	_ = 	snop  }
0x6: {  	_ = 	snop  }
0x7: {  	_ = 	snop  }
__scs_overlays_trampoline_lowered:
0x8: {  	[smem:$0x3FAE] =	sst s0  }
0x9: {  	[smem:$0x3FAF] =	sst s1  }
0xa: {  	[smem:$0x3FB0] =	sst s2  }
0xb: {  	[smem:$0x3FB1] =	sst s3  }
0xc: {  	[smem:$0x3FB2] =	sst s4  }
0xd: {  	[smem:$0x3FB3] =	sst s5  }
0xe: {  	[smem:$0x3FB4] =	sst s6  }
0xf: {  	[smem:$0x3FB5] =	sst s7  }
0x10: {  	[smem:$0x3FB6] =	sst s8  }
0x11: {  	[smem:$0x3FB7] =	sst s9;
	s0 =	simm.s32 @!p0 $0x0  }
0x12: {  	s1 =	sld [smem:$0x3F9D];
	s0 =	simm.s32 @p0 $0x1  }
0x13: {  	[smem:$0x3FB8] =	sst s0;
	s0 =	simm.s32 @!p1 $0x0  }
0x14: {  	s2 =	sld [smem:$0x3F9C];
	s0 =	simm.s32 @p1 $0x1  }
0x15: {  	[smem:$0x3FB9] =	sst s0;
	s0 =	simm.s32 @!p2 $0x0  }
0x16: {  	s3 =	sld [smem:$0x3FDB];
	s0 =	simm.s32 @p2 $0x1  }
0x17: {  	s4 =	simm.s32 $0x1BF5;
	[smem:$0x3FBB] =	sst s0  }
0x18: {  	s0 =	sld [smem:$0x3F9E];
	_ =	swait.ge [sflag:s4], $0x0  }
0x19: {  	s7 =	sld [smem:$0x3F9F]  }
0x1a: {  	s8 =	sadd.s32 $0xFFFFE003, lr  }
0x1b: {  	s9 =	sadd.s32 $0xFFFFFEF7, lr;
	s5 =	simm.s32 $0xFFFFFFFF;
	p2 =	slt.u32 s8, $0xFFFFF086  }
0x1c: {  	p1 =	slt.u32 s9, $0xF7A;
	s5 =	simm.s32 @!p2 $0x0  }
0x1d: {  	s5 =	simm.s32 @p1 $0x1;
	p0 =	seq.s32 s7, s2  }
0x1e: {  	s7 =	smul.u32 @!p0 $0xF7A, s2;
	p2 =	seq.s32 @!p0 s5, $0x0  }
0x1f: {  	s9 =	smul.u32 $0xF7A, s1;
	s8 =	simm.s32 @!p0 $0x1BF5;
	p2 =	por !p2, p0  }
0x20: {  	[sflag:s8] =	ssyncset.s32 @!p0 $0xFFFFF086;
	s6 =	sadd.s32 @!p0 s3, s7;
	s7 =	simm.s32 @!p0 $0x108  }
0x21: {  	s3 =	sadd.s32 s3, s9;
	s6 =	sadd.s32 @!p0 $0x88, s6;
	s7 =	simm.s32 @p2 $0x1082  }
0x22: {  	[simem:s7], [sflag:s8] =	dma.local @!p0 [hbm:s6], $0xF7A  }
0x23: {  	s9 =	sor.u32 $0xD0000000, s2;
	s6 =	simm.s32 $0x108;
	_ =	swait.ge @!p0 [sflag:s8], $0x0  }
0x24: {  	s3 =	sadd.s32 $0x88, s3;
	s6 =	simm.s32 @!p1 $0x1082;
	[sflag:s4] =	ssyncset.s32 $0xFFFFF086  }
0x25: {  	[simem:s6], [sflag:s4] =	dma.local [hbm:s3], $0xF7A  }
0x26: {  	[smem:$0x3F9F] =	sst s1;
	(tag) =	ssettag s2;
	_ =	strace s9  }
0x27: {  	s1 =	sld [smem:$0x3FAF]  }
0x28: {  	s2 =	sld [smem:$0x3FB0]  }
0x29: {  	s4 =	sld [smem:$0x3FB2]  }
0x2a: {  	p0 =	seq.s32 s5, $0x0;
	s5 =	sld [smem:$0x3FB3]  }
0x2b: {  	s6 =	sld [smem:$0x3FB4]  }
0x2c: {  	s7 =	sld [smem:$0x3FB5]  }
0x2d: {  	s3 =	simm.s32 $0x108;
	s8 =	sld [smem:$0x3FB6]  }
0x2e: {  	s3 =	simm.s32 @!p0 $0x1082;
	s9 =	sld [smem:$0x3FB7]  }
0x2f: {  	lr =	sadd.s32 s0, s3;
	s0 =	sld [smem:$0x3FAE]  }
0x30: {  	s3 =	sld [smem:$0x3FB1]  }
0x31: {  	[smem:$0x3FBA] =	sst s10  }
0x32: {  	s10 =	sld [smem:$0x3FB8];
	_ =	sdelay $0x3  }
0x33: {  	p0 =	seq.s32 s10, $0x1;
	s10 =	sld [smem:$0x3FBA];
	_ =	sdelay $0x3  }
0x34: {  	[smem:$0x3FBA] =	sst s10  }
0x35: {  	s10 =	sld [smem:$0x3FB9];
	_ =	sdelay $0x3  }
0x36: {  	p1 =	seq.s32 s10, $0x1;
	s10 =	sld [smem:$0x3FBA];
	_ =	sdelay $0x3  }
0x37: {  	[smem:$0x3FBA] =	sst s10  }
0x38: {  	s10 =	sld [smem:$0x3FBB]  }
0x39: {  	_ = 	snop;
	(pc) =	sbr.ind lr, $3  }
0x3a: {  	_ = 	snop  }
0x3b: {  	_ = 	snop  }
0x3c: {  	p2 =	seq.s32 s10, $0x1;
	s10 =	sld [smem:$0x3FBA]  }
0x3d: {  	_ =	shalt  }
0x3e: {  	_ =	shalt  }
0x3f: {  	_ =	shalt  }
0x40: {  	_ =	shalt  }
0x41: {  	_ =	shalt  }
0x42: {  	_ =	shalt  }
0x43: {  	_ =	shalt  }
0x44: {  	_ =	shalt  }
0x45: {  	_ =	shalt  }
0x46: {  	_ =	shalt  }
0x47: {  	_ =	shalt  }
0x48: {  	_ =	shalt  }
0x49: {  	_ =	shalt  }
0x4a: {  	_ =	shalt  }
0x4b: {  	_ =	shalt  }
0x4c: {  	_ =	shalt  }
0x4d: {  	_ =	shalt  }
0x4e: {  	_ =	shalt  }
0x4f: {  	_ =	shalt  }
0x50: {  	_ =	shalt  }
0x51: {  	_ =	shalt  }
0x52: {  	_ =	shalt  }
0x53: {  	_ =	shalt  }
0x54: {  	_ =	shalt  }
0x55: {  	_ =	shalt  }
0x56: {  	_ =	shalt  }
0x57: {  	_ =	shalt  }
0x58: {  	_ =	shalt  }
0x59: {  	_ =	shalt  }
0x5a: {  	_ =	shalt  }
0x5b: {  	_ =	shalt  }
0x5c: {  	_ =	shalt  }
0x5d: {  	_ =	shalt  }
0x5e: {  	_ =	shalt  }
0x5f: {  	_ =	shalt  }
0x60: {  	_ =	shalt  }
0x61: {  	_ =	shalt  }
0x62: {  	_ =	shalt  }
0x63: {  	_ =	shalt  }
0x64: {  	_ =	shalt  }
0x65: {  	_ =	shalt  }
0x66: {  	_ =	shalt  }
0x67: {  	_ =	shalt  }
0x68: {  	_ =	shalt  }
0x69: {  	_ =	shalt  }
0x6a: {  	_ =	shalt  }
0x6b: {  	_ =	shalt  }
0x6c: {  	_ =	shalt  }
0x6d: {  	_ =	shalt  }
0x6e: {  	_ =	shalt  }
0x6f: {  	_ =	shalt  }
0x70: {  	_ =	shalt  }
0x71: {  	_ =	shalt  }
0x72: {  	_ =	shalt  }
0x73: {  	_ =	shalt  }
0x74: {  	_ =	shalt  }
0x75: {  	_ =	shalt  }
0x76: {  	_ =	shalt  }
0x77: {  	_ =	shalt  }
0x78: {  	_ =	shalt  }
0x79: {  	_ =	shalt  }
0x7a: {  	_ =	shalt  }
0x7b: {  	_ =	shalt  }
0x7c: {  	_ =	shalt  }
0x7d: {  	_ =	shalt  }
0x7e: {  	_ =	shalt  }
0x7f: {  	_ =	shalt  }
0x80: {  	_ =	shalt  }
0x81: {  	_ =	shalt  }
0x82: {  	_ =	shalt  }
0x83: {  	_ =	shalt  }
0x84: {  	_ =	shalt  }
0x85: {  	_ =	shalt  }
0x86: {  	_ =	shalt  }
0x87: {  	_ =	shalt  }
.Lfunc_end0:
.L_simem_size_0:
called_computation_lowered:
.L_overlay_start_0:
0x88: {  	s2 =	sld [smem:$0x3FD9]  }
0x89: {  	s3 =	sld [smem:$0x3FFE];
	_ =	sdelay $0x1  }
0x8a: {  	s1 =	srdreg.scid  }
0x8b: {  	s0 =	sand.u32 $0x1, s1  }
0x8c: {  	s14 =	sshll.u32 s0, $0xA;
	s2 =	sadd.s32 s3, s2  }
0x8d: {  	s2 =	sadd.s32 s2, s14  }
0x8e: {  	[smem:$0x3FC6] =	sst s2  }
0x8f: {  	_ = 	snop  }
0x90: {  	s2 =	sld [smem:$0x3FD0];
	_ =	sdelay $0x2  }
0x91: {  	s4 =	simm.s32 $0xA;
	s5 =	simm.s32 $0x10;
	s15 =	sld [smem:$0x3FC9]  }
0x92: {  	[smem:s5], [sflag:s4] =	dma.local [hbm:s2], $0x1  }
0x93: {  	_ =	swait.eq [sflag:s4], $0x1  }
0x94: {  	[sflag:s4] =	ssyncset.done $0x0  }
0x95: {  	[sflag:s4] =	ssyncadd.s32 $0xFFFFFFFF  }
0x96: {  	s16 =	sld [smem:$0x10];
	(tm) =	ssettm $0x1  }
0x97: {  	s17 =	sld [smem:$0x3FFB];
	_ =	sdelay $0x3  }
0x98: {  	_ =	strace s17  }
0x99: {  	s4 =	sld [smem:$0x3FFC];
	_ =	sdelay $0x3  }
0x9a: {  	_ =	strace s4  }
0x9b: {  	s4 =	sld [smem:$0x3FFD];
	_ =	sdelay $0x3  }
0x9c: {  	_ =	strace s4  }
0x9d: {  	_ =	strace $0x8FFFFFFF  }
0x9e: {  	s18 =	sld [smem:$0x3FDB];
	_ =	sdelay $0x1  }
0x9f: {  	s19 =	simm.s32 $_scs_section_size  }
0xa0: {  	s6 =	simm.s32 $_size__tile_overlayer_lowered;
	s7 =	simm.s32 $_tile_overlayer_lowered  }
0xa1: {  	s22 =	simm.s32 $0x1BFF;
	s21 =	sshll.u32 s7, $0x1;
	s4 =	sadd.s32 s19, s18  }
0xa2: {  	s8 =	simm.s32 $0x0;
	s20 =	sshll.u32 s6, $0x1;
	s6 =	sadd.s32 s21, s4  }
0xa3: {  	[timem:s8], [sflag:s22] =	dma.local [hbm:s6], s20  }
0xa4: {  	_ =	swait.ge [sflag:s22], s20  }
0xa5: {  	s5 =	ssub.s32 $0x0, s20;
	[sflag:s22] =	ssyncset.done $0x0  }
0xa6: {  	[sflag:s22] =	ssyncadd.s32 s5;
	_ =	sdelay $0x1  }
0xa7: {  	s23 =	simm.s32 $0x1B8B  }
0xa8: {  	_ =	swait.ge [sflag:s23], $0x1  }
0xa9: {  	[sflag:s23] =	ssyncset.done $0x0  }
0xaa: {  	s25 =	simm.s32 $0x1B8E;
	s24 =	sld [smem:$0x3FFE];
	[sflag:s23] =	ssyncadd.s32 $0xFFFFFFFF  }
0xab: {  	s26 =	simm.s32 $execute0_lowered;
	[smem:$0x3FD2] =	sst s25  }
0xac: {  	s6 =	sshll.u32 s26, $0x1;
	_ =	strace $0x80000046;
	[dreg:$0x1] =	wrdreg $0xFFFFFFFF  }
0xad: {  	s28 =	simm.s32 $_size_execute0_lowered;
	s4 =	sadd.s32 s4, s6;
	[dreg:$0x0] =	wrdreg $0x0  }
0xae: {  	s6 =	sshll.u32 s28, $0x1;
	[dreg:$0x2] =	wrdreg s4  }
0xaf: {  	[dreg:$0x3] =	wrdreg s6  }
0xb0: {  	[dreg:$0x4] =	wrdreg $0xC0  }
0xb1: {  	_ =	task [dreg:s8], $0x5FFFF  }
0xb2: {  	[dreg:$0x1] =	wrdreg $0xFFFFFFFF  }
0xb3: {  	[dreg:$0x0] =	wrdreg $0x60  }
0xb4: {  	[dreg:$0x2] =	wrdreg s15  }
0xb5: {  	[dreg:$0x3] =	wrdreg s16  }
0xb6: {  	[dreg:$0x4] =	wrdreg s24  }
0xb7: {  	[dreg:$0x5] =	wrdreg $0x9  }
0xb8: {  	_ =	task.clear_ibuf [dreg:s8], $0x6FFFF;
	_ =	strace $0x90000046  }
0xb9: {  	s29 =	simm.s32 $0x9;
	_ =	strace $0x80000048  }
0xba: {  	_ =	swait.ge [sflag:s29], $0x1  }
0xbb: {  	[sflag:s29] =	ssyncadd.s32 $0xFFFFFFFF  }
0xbc: {  	_ =	strace $0x90000048  }
0xbd: {  	_ =	sfence  }
0xbe: {  	s30 =	sld [smem:$0x0];
	_ =	sdelay $0x2  }
0xbf: {  	s31 =	sshll.u32 s1, $0xD;
	s1 =	sshrl.u32 s1, $0x2  }
0xc0: {  	s3 =	sand.u32 $0x4000, s31;
	s1 =	sadd.s32 s1, s30  }
0xc1: {  	s0 =	sor.u32 s3, s0;
	s1 =	sshll.u32 s1, $0x11  }
0xc2: {  	s0 =	sor.u32 s1, s0  }
0xc3: {  	s0 =	sadd.s32 $0x8F2B, s0  }
0xc4: {  	[sflag:s0] =	ssyncadd.remote.s32 $0x1  }
0xc5: {  	_ =	sfence.sel $0xFFFF  }
0xc6: {  	[dreg:$0x0] =	wrdreg $0xFFFFFFFF;
	(pc) =	sbr.abs _section_cstart, $3  }
0xc7: {  	[dreg:$0x1] =	wrdreg $0xFFFFFFFF  }
0xc8: {  	_ =	task.clear_ibuf [dreg:s8], $0x2FFFF;
	_ =	strace $0x9FFFFFFF  }
0xc9: {  	(tm) =	ssettm $0x7FFFFFFF  }
tec
execute0_lowered:
.L_overlay_start_1:
0x0: {  	(tag) =	ssettag $0x1  }
0x1: {  	s1 =	rddreg [dreg:$0x0]  }
0x2: {  	s0 =	rddreg [dreg:$0x2];
	s3 =	simm.s32 $0x0  }
0x3: {  	s2 =	srdreg.scid;
	s4 =	stileid.u32;
	s11 =	simm.s32 $0x4  }
0x4: {  	s12 =	simm.s32 $0x1;
	s13 =	simm.s32 $0x80;
	s14 =	simm.s32 $0x4000  }
0x5: {  	s15 =	simm.s32 $0x2;
	s16 =	simm.s32 $0x3;
	s17 =	simm.s32 $0x0  }
0x6: {  	[smem:$0x7FF] =	sst s3;
	s2 =	sand.u32 $0x1, s2;
	s5 =	sadd.s32 $0x600, s0  }
0x7: {  	s30 =	sshll.u32 s4, $0x8;
	s8 =	sshll.u32 s4, $0xA;
	s9 =	sshll.u32 s4, $0x4  }
0x8: {  	s10 =	sshll.u32 s4, $0x7;
	_ =	strace $0x80000047;
	s28 =	ssub.s32 $0x2, s2  }
0x9: {  	s7 =	sshll.u32 s2, $0x4;
	s2 =	sshll.u32 s2, $0x7;
	s8 =	sand.u32 $0x3000, s8  }
0xa: {  	s9 =	sand.u32 $0x70, s9;
	s10 =	sand.u32 $0x380, s10;
	s6 =	sshrl.u32 s28, $0x1  }
.Ltmp0:
0xb: {  	s29 =	sor.u32 s4, s7;
	s7 =	sand.u32 $0x300, s30;
	(pc) =	sbr.rel .LBB2_1-.Ltmp0, $4  }
0xc: {  	s9 =	sadd.s32 s1, s9;
	s0 =	ssub.s32 s28, s6;
	s6 =	sshll.u32 s29, $0x9  }
0xd: {  	s2 =	sor.u32 s2, s7;
	s31 =	sshll.u32 s29, $0x6;
	s6 =	sand.u32 $0x3000, s6  }
0xe: {  	s7 =	sand.u32 $0x600, s31;
	s10 =	sor.u32 s10, s6;
	s6 =	sor.u32 s2, s8  }
0xf: {  	v0 =	vimm.f32 $0.0e+00;
	s7 =	sadd.s32 s7, s9;
	s9 =	smax.u32 s0, $0x1;
	s8 =	sor.u32 $0x100000, s10  }
.LBB2_25:
0x10: {  	[sflag:s16] =	ssyncadd.s32 $0xFFFF8000  }
.LBB2_26:
0x11: {  	s17 =	sadd.s32 $0x1, s17  }
0x12: {  	p0 =	sne.s32 s17, s9  }
.Ltmp1:
0x13: {  	_ = 	snop;
	(pc) =	sbr.rel @!p0 .LBB2_27-.Ltmp1, $1  }
0x14: {  	_ =	sdelay $0x3  }
.LBB2_1:
0x15: {  	s0 =	rddreg [dreg:$0x1];
	s2 =	simm.s32 $0x18000;
	s29 =	simm.s32 $0x0  }
0x16: {  	[tilespmem:s2], [sflag:$0x4] =	stream.linear.gather [hbm4b:s0+s3], $0x80, $0x38;
	[tilespmem:$0x18080] =	vst v63  }
0x17: {  	s30 =	sand.u32 $0xC00, s3;
	s18 =	simm.s32 $0x0;
	s0 =	sand.u32 $0x7000, s29  }
0x18: {  	s18 =	sand.u32 $0x380, s18;
	_ =	swait.ge [sflag:s11], $0x80;
	s0 =	sor.u32 s30, s0  }
0x19: {  	s31 =	sand.u32 $0x70, s3;
	[sflag:s11] =	ssyncset.done $0x0;
	s0 =	sor.u32 s18, s0  }
0x1a: {  	[sflag:s11] =	ssyncadd.s32 $0xFFFFFF80;
	s2 =	sor.u32 s31, s0  }
0x1b: {  	s18 =	simm.s32 $0x0;
	s0 =	simm.s32 $0x1;
	v1 =	vld [tilespmem:s4+$0x18000];
	[tilespmem:s2+$0x10000] =	vst v0;
	s2 =	simm.s32 $0x80  }
.LBB2_2:
0x1c: {  	s19 =	sshll.u32 s0, $0x4;
	p0 =	seq.s32 s0, $0x7FF  }
0x1d: {  	s20 =	smov.u32 s0;
	s0 =	sadd.s32 $0x1, s0;
	s21 =	sand.u32 $0xC00, s2  }
.Ltmp2:
0x1e: {  	s19 =	sand.u32 $0x7000, s19;
	s20 =	sshll.u32 s20, $0x2;
	(pc) =	sbr.rel @!p0 .LBB2_2-.Ltmp2, $4  }
0x1f: {  	s18 =	sadd.s32 $0x10, s18;
	s20 =	sand.u32 $0x380, s20;
	s19 =	sor.u32 s21, s19  }
0x20: {  	s21 =	sand.u32 $0x70, s18;
	s19 =	sor.u32 s20, s19  }
0x21: {  	s19 =	sor.u32 s21, s19  }
0x22: {  	s2 =	sadd.s32 $0x80, s2;
	[tilespmem:s19+$0x10000] =	vst v0  }
0x23: {  	(v2sf) =	vpush v1, $0x0;
	_ =	sdelay $0xe  }
0x24: {  	s18 =	spop (v2sf)  }
0x25: {  	s0 =	sadd.s32 $0x3F, s18  }
0x26: {  	s2 =	sand.u32 $0x3F, s0  }
0x27: {  	s31 =	sshra.s32 s0, $0x1F;
	p1 =	slt.s32 s0, $0x1;
	p0 =	sne.s32 s2, $0x0  }
0x28: {  	s2 =	sshrl.u32 s31, $0x1A;
	p0 =	por !p1, !p0  }
0x29: {  	s0 =	sadd.s32 s2, s0;
	s2 =	simm.s32 $0x1;
	p0 =	por !p0, !p0  }
0x2a: {  	s0 =	sshra.s32 s0, $0x6;
	s2 =	simm.s32 @!p0 $0x0  }
0x2b: {  	s19 =	ssub.s32 s0, s2  }
0x2c: {  	p0 =	slt.s32 s19, $0x10  }
.Ltmp3:
0x2d: {  	_ = 	snop;
	(pc) =	sbr.rel @!p0 .LBB2_8-.Ltmp3, $2  }
0x2e: {  	_ =	sdelay $0x2  }
0x2f: {  	s20 =	smov.u32 s19  }
.LBB2_4:
0x30: {  	s0 =	sshll.u32 s20, $0x14  }
0x31: {  	s0 =	sor.u32 s6, s0  }
0x32: {  	s0 =	sshrl.u32 s0, $0x3  }
0x33: {  	s28 =	simm.s32 $0x10000;
	s29 =	simm.s32 $0x10400;
	s21 =	sadd.s32 s5, s0  }
0x34: {  	s30 =	simm.s32 $0x10800;
	s23 =	simm.s32 $0x8000;
	s24 =	sadd.s32 $0x0, s21  }
0x35: {  	[hbm4b:s24+s13] =	stream.strided.scatter [tilespmem:s28], [sflag:$0x3], $0x400, s14, s13, $0x38;
	[tilespmem:$0x18080] =	vst v63  }
0x36: {  	s0 =	simm.s32 $0x1000;
	s22 =	sadd.s32 $0x4000, s21;
	s2 =	sadd.s32 $0x80, s24  }
0x37: {  	[hbm4b:s2+s13] =	stream.strided.scatter [tilespmem:s29], [sflag:$0x3], $0x400, s14, s13, $0x38;
	[tilespmem:$0x18080] =	vst v63  }
0x38: {  	s31 =	sadd.s32 $0x100, s24;
	s24 =	sadd.s32 $0x180, s24;
	s2 =	simm.s32 $0x10C00  }
0x39: {  	[hbm4b:s31+s13] =	stream.strided.scatter [tilespmem:s30], [sflag:$0x3], $0x400, s14, s13, $0x38;
	[tilespmem:$0x18080] =	vst v63  }
.LBB2_5:
0x3a: {  	[hbm4b:s24+s13] =	stream.strided.scatter [tilespmem:s2], [sflag:$0x3], $0x400, s14, s13, $0x38;
	[tilespmem:$0x18080] =	vst v63  }
0x3b: {  	s24 =	smov.u32 s0;
	s25 =	smov.u32 s23;
	p0 =	sne.s32 s23, $0x1C000  }
0x3c: {  	s0 =	sadd.s32 $0x10000, s24;
	s26 =	sadd.s32 $0x10400, s24;
	s2 =	sadd.s32 $0x10C00, s24  }
0x3d: {  	[hbm4b:s22+s13] =	stream.strided.scatter [tilespmem:s0], [sflag:$0x3], $0x400, s14, s13, $0x38;
	[tilespmem:$0x18080] =	vst v63  }
.Ltmp4:
0x3e: {  	s28 =	sadd.s32 $0x80, s22;
	s0 =	sshra.s32 s23, $0x2;
	(pc) =	sbr.rel @p0 .LBB2_5-.Ltmp4, $4  }
0x3f: {  	[hbm4b:s28+s13] =	stream.strided.scatter [tilespmem:s26], [sflag:$0x3], $0x400, s14, s13, $0x38;
	[tilespmem:$0x18080] =	vst v63  }
0x40: {  	s24 =	sadd.s32 $0x10800, s24;
	s26 =	sadd.s32 $0x4000, s23;
	s28 =	sadd.s32 $0x100, s22  }
0x41: {  	[hbm4b:s28+s13] =	stream.strided.scatter [tilespmem:s24], [sflag:$0x3], $0x400, s14, s13, $0x38;
	[tilespmem:$0x18080] =	vst v63  }
0x42: {  	s23 =	smov.u32 s26;
	s24 =	sadd.s32 $0x180, s22;
	s22 =	sadd.s32 s25, s21  }
0x43: {  	[hbm4b:s24+s13] =	stream.strided.scatter [tilespmem:s2], [sflag:$0x3], $0x400, s14, s13, $0x38;
	[tilespmem:$0x18080] =	vst v63  }
0x44: {  	s25 =	sadd.s32 $0x10000, s0;
	s20 =	sadd.s32 $0x1, s20  }
0x45: {  	[hbm4b:s22+s13] =	stream.strided.scatter [tilespmem:s25], [sflag:$0x3], $0x400, s14, s13, $0x38;
	[tilespmem:$0x18080] =	vst v63  }
0x46: {  	s26 =	sadd.s32 $0x10400, s0;
	s21 =	sadd.s32 $0x80, s22;
	p0 =	sne.s32 s20, $0x10  }
0x47: {  	[hbm4b:s21+s13] =	stream.strided.scatter [tilespmem:s26], [sflag:$0x3], $0x400, s14, s13, $0x38;
	[tilespmem:$0x18080] =	vst v63  }
.Ltmp5:
0x48: {  	_ = 	snop;
	(pc) =	sbr.rel @p0 .LBB2_4-.Ltmp5, $4  }
0x49: {  	s28 =	sadd.s32 $0x10800, s0;
	s29 =	sadd.s32 $0x100, s22  }
0x4a: {  	[hbm4b:s29+s13] =	stream.strided.scatter [tilespmem:s28], [sflag:$0x3], $0x400, s14, s13, $0x38;
	[tilespmem:$0x18080] =	vst v63  }
0x4b: {  	s30 =	sadd.s32 $0x10C00, s0;
	s31 =	sadd.s32 $0x180, s22  }
0x4c: {  	[hbm4b:s31+s13] =	stream.strided.scatter [tilespmem:s30], [sflag:$0x3], $0x400, s14, s13, $0x38;
	[tilespmem:$0x18080] =	vst v63  }
0x4d: {  	p0 =	slt.s32 s19, $0x1  }
.Ltmp6:
0x4e: {  	_ = 	snop;
	(pc) =	sbr.rel @p0 .LBB2_23-.Ltmp6, $1  }
0x4f: {  	_ =	sdelay $0x3  }
.LBB2_8:
0x50: {  	s2 =	sadd.s32 $0x0, s7  }
0x51: {  	s0 =	simm.s32 $0x0;
	s20 =	simm.s32 $0x400;
	s31 =	simm.s32 $0x800  }
0x52: {  	[tilespmem:s0], [sflag:$0x1] =	stream.strided.gather [hbm4b:s2+s13], $0x400, s14, s13, $0x38;
	[tilespmem:$0x18080] =	vst v63  }
0x53: {  	s22 =	simm.s32 $0x0;
	s29 =	sadd.s32 $0x80, s2;
	s30 =	sadd.s32 $0x100, s2  }
0x54: {  	[tilespmem:s20], [sflag:$0x1] =	stream.strided.gather [hbm4b:s29+s13], $0x400, s14, s13, $0x38;
	[tilespmem:$0x18080] =	vst v63  }
0x55: {  	s0 =	simm.s32 $0x4000;
	s2 =	sadd.s32 $0x180, s2;
	s20 =	simm.s32 $0xC00  }
0x56: {  	[tilespmem:s31], [sflag:$0x1] =	stream.strided.gather [hbm4b:s30+s13], $0x400, s14, s13, $0x38;
	[tilespmem:$0x18080] =	vst v63  }
.LBB2_9:
0x57: {  	[tilespmem:s20], [sflag:$0x1] =	stream.strided.gather [hbm4b:s2+s13], $0x400, s14, s13, $0x38;
	[tilespmem:$0x18080] =	vst v63  }
0x58: {  	s2 =	sadd.s32 s0, s7;
	s20 =	sshra.s32 s0, $0x2;
	p0 =	seq.s32 s0, $0x1C000  }
0x59: {  	[tilespmem:s20], [sflag:$0x1] =	stream.strided.gather [hbm4b:s2+s13], $0x400, s14, s13, $0x38;
	[tilespmem:$0x18080] =	vst v63  }
.Ltmp7:
0x5a: {  	s21 =	sadd.s32 $0x80, s2;
	s23 =	sadd.s32 $0x400, s20;
	(pc) =	sbr.rel @!p0 .LBB2_9-.Ltmp7, $4  }
0x5b: {  	[tilespmem:s23], [sflag:$0x1] =	stream.strided.gather [hbm4b:s21+s13], $0x400, s14, s13, $0x38;
	[tilespmem:$0x18080] =	vst v63  }
0x5c: {  	s0 =	sadd.s32 $0x4000, s0;
	s21 =	sadd.s32 $0x100, s2;
	s23 =	sadd.s32 $0x800, s20  }
0x5d: {  	[tilespmem:s23], [sflag:$0x1] =	stream.strided.gather [hbm4b:s21+s13], $0x400, s14, s13, $0x38;
	[tilespmem:$0x18080] =	vst v63  }
0x5e: {  	s2 =	sadd.s32 $0x180, s2;
	s20 =	sadd.s32 $0xC00, s20  }
.Ltmp8:
0x5f: {  	(pc) =	sbr.rel .LBB2_11-.Ltmp8, $2  }
0x60: {  	_ =	sdelay $0x2  }
0x61: {  	[tilespmem:s20], [sflag:$0x1] =	stream.strided.gather [hbm4b:s2+s13], $0x400, s14, s13, $0x38;
	[tilespmem:$0x18080] =	vst v63  }
.LBB2_40:
0x62: {  	p0 =	seq.s32 s20, s19  }
.Ltmp9:
0x63: {  	_ = 	snop;
	(pc) =	sbr.rel @p0 .LBB2_22-.Ltmp9, $4  }
0x64: {  	_ = 	snop  }
0x65: {  	_ =	swait.ge [sflag:s15], $0x8000  }
0x66: {  	[sflag:s15] =	ssyncset.done $0x0  }
0x67: {  	s22 =	smov.u32 s20;
	[sflag:s15] =	ssyncadd.s32 $0xFFFF8000  }
.LBB2_11:
0x68: {  	s20 =	sadd.s32 $0x1, s22  }
0x69: {  	p0 =	sge.s32 s20, s19  }
.Ltmp10:
0x6a: {  	_ = 	snop;
	(pc) =	sbr.rel @p0 .LBB2_19-.Ltmp10, $4  }
0x6b: {  	_ = 	snop  }
0x6c: {  	_ =	swait.ge [sflag:s12], $0x8000  }
0x6d: {  	[sflag:s12] =	ssyncset.done $0x0  }
0x6e: {  	s21 =	sshll.u32 s22, $0x14;
	[sflag:s12] =	ssyncadd.s32 $0xFFFF8000  }
0x6f: {  	s0 =	sand.u32 $0x1, s20  }
0x70: {  	p0 =	seq.s32 s0, $0x1  }
.Ltmp11:
0x71: {  	_ = 	snop;
	(pc) =	sbr.rel @p0 .LBB2_16-.Ltmp11, $4  }
0x72: {  	_ = 	snop  }
0x73: {  	s2 =	sadd.s32 s8, s21  }
0x74: {  	s31 =	sshrl.u32 s2, $0x3  }
0x75: {  	s23 =	sadd.s32 s1, s31  }
0x76: {  	s2 =	sadd.s32 $0x0, s23;
	s0 =	simm.s32 $0x0;
	s24 =	simm.s32 $0x400  }
0x77: {  	[tilespmem:s0], [sflag:$0x1] =	stream.strided.gather [hbm4b:s2+s13], $0x400, s14, s13, $0x38;
	[tilespmem:$0x18080] =	vst v63  }
0x78: {  	s31 =	simm.s32 $0x800;
	s29 =	sadd.s32 $0x80, s2;
	s30 =	sadd.s32 $0x100, s2  }
0x79: {  	[tilespmem:s24], [sflag:$0x1] =	stream.strided.gather [hbm4b:s29+s13], $0x400, s14, s13, $0x38;
	[tilespmem:$0x18080] =	vst v63  }
0x7a: {  	s0 =	simm.s32 $0x4000;
	s2 =	sadd.s32 $0x180, s2;
	s24 =	simm.s32 $0xC00  }
0x7b: {  	[tilespmem:s31], [sflag:$0x1] =	stream.strided.gather [hbm4b:s30+s13], $0x400, s14, s13, $0x38;
	[tilespmem:$0x18080] =	vst v63  }
.LBB2_14:
0x7c: {  	[tilespmem:s24], [sflag:$0x1] =	stream.strided.gather [hbm4b:s2+s13], $0x400, s14, s13, $0x38;
	[tilespmem:$0x18080] =	vst v63  }
0x7d: {  	s2 =	sadd.s32 s0, s23;
	s24 =	sshra.s32 s0, $0x2;
	p0 =	sne.s32 s0, $0x1C000  }
0x7e: {  	[tilespmem:s24], [sflag:$0x1] =	stream.strided.gather [hbm4b:s2+s13], $0x400, s14, s13, $0x38;
	[tilespmem:$0x18080] =	vst v63  }
.Ltmp12:
0x7f: {  	s25 =	sadd.s32 $0x80, s2;
	s26 =	sadd.s32 $0x400, s24;
	(pc) =	sbr.rel @p0 .LBB2_14-.Ltmp12, $4  }
0x80: {  	[tilespmem:s26], [sflag:$0x1] =	stream.strided.gather [hbm4b:s25+s13], $0x400, s14, s13, $0x38;
	[tilespmem:$0x18080] =	vst v63  }
0x81: {  	s0 =	sadd.s32 $0x4000, s0;
	s25 =	sadd.s32 $0x100, s2;
	s26 =	sadd.s32 $0x800, s24  }
0x82: {  	[tilespmem:s26], [sflag:$0x1] =	stream.strided.gather [hbm4b:s25+s13], $0x400, s14, s13, $0x38;
	[tilespmem:$0x18080] =	vst v63  }
0x83: {  	s2 =	sadd.s32 $0x180, s2;
	s24 =	sadd.s32 $0xC00, s24  }
0x84: {  	s0 =	sand.u32 $0x1, s22  }
0x85: {  	p0 =	seq.s32 s0, $0x1  }
.Ltmp13:
0x86: {  	_ = 	snop;
	(pc) =	sbr.rel @p0 .LBB2_19-.Ltmp13, $2  }
0x87: {  	_ =	sdelay $0x2  }
0x88: {  	[tilespmem:s24], [sflag:$0x1] =	stream.strided.gather [hbm4b:s2+s13], $0x400, s14, s13, $0x38;
	[tilespmem:$0x18080] =	vst v63  }
.LBB2_16:
0x89: {  	s24 =	simm.s32 $0x0;
	s0 =	simm.s32 $0x0;
	s2 =	simm.s32 $0x4000  }
.LBB2_17:
0x8a: {  	p0 =	sne.s32 s2, $0x1C000;
	s25 =	sadd.s32 s24, s23;
	s24 =	sadd.s32 $0x8000, s0  }
0x8b: {  	[tilespmem:s24], [sflag:$0x1] =	stream.strided.gather [hbm4b:s25+s13], $0x400, s14, s13, $0x38;
	[tilespmem:$0x18080] =	vst v63  }
0x8c: {  	s28 =	sadd.s32 $0x8400, s0;
	s26 =	sadd.s32 $0x80, s25;
	s24 =	smov.u32 s2  }
0x8d: {  	[tilespmem:s28], [sflag:$0x1] =	stream.strided.gather [hbm4b:s26+s13], $0x400, s14, s13, $0x38;
	[tilespmem:$0x18080] =	vst v63  }
.Ltmp14:
0x8e: {  	s26 =	sadd.s32 $0x100, s25;
	s28 =	sadd.s32 $0x8800, s0;
	(pc) =	sbr.rel @p0 .LBB2_17-.Ltmp14, $4  }
0x8f: {  	[tilespmem:s28], [sflag:$0x1] =	stream.strided.gather [hbm4b:s26+s13], $0x400, s14, s13, $0x38;
	[tilespmem:$0x18080] =	vst v63  }
0x90: {  	s25 =	sadd.s32 $0x180, s25;
	s0 =	sadd.s32 $0x8C00, s0  }
0x91: {  	[tilespmem:s0], [sflag:$0x1] =	stream.strided.gather [hbm4b:s25+s13], $0x400, s14, s13, $0x38;
	[tilespmem:$0x18080] =	vst v63  }
0x92: {  	s2 =	sadd.s32 $0x4000, s2;
	s0 =	sshra.s32 s24, $0x2  }
0x93: {  	s2 =	sadd.s32 s24, s23;
	s25 =	sadd.s32 $0x8000, s0  }
0x94: {  	[tilespmem:s25], [sflag:$0x1] =	stream.strided.gather [hbm4b:s2+s13], $0x400, s14, s13, $0x38;
	[tilespmem:$0x18080] =	vst v63  }
0x95: {  	s28 =	sadd.s32 $0x8400, s0;
	s26 =	sadd.s32 $0x80, s2  }
0x96: {  	[tilespmem:s28], [sflag:$0x1] =	stream.strided.gather [hbm4b:s26+s13], $0x400, s14, s13, $0x38;
	[tilespmem:$0x18080] =	vst v63  }
0x97: {  	s30 =	sadd.s32 $0x8800, s0;
	s29 =	sadd.s32 $0x100, s2  }
0x98: {  	[tilespmem:s30], [sflag:$0x1] =	stream.strided.gather [hbm4b:s29+s13], $0x400, s14, s13, $0x38;
	[tilespmem:$0x18080] =	vst v63  }
0x99: {  	s31 =	sadd.s32 $0x8C00, s0;
	s2 =	sadd.s32 $0x180, s2  }
0x9a: {  	[tilespmem:s31], [sflag:$0x1] =	stream.strided.gather [hbm4b:s2+s13], $0x400, s14, s13, $0x38;
	[tilespmem:$0x18080] =	vst v63  }
.LBB2_19:
0x9b: {  	s0 =	sshll.u32 s22, $0x6  }
0x9c: {  	s2 =	sadd.s32 $0x40, s0  }
0x9d: {  	p0 =	sle.s32 s2, s18  }
0x9e: {  	s0 =	ssub.s32 @!p0 s18, s0  }
0x9f: {  	s29 =	sshll.u32 @!p0 s0, $0x5  }
0xa0: {  	p1 =	sgt.s32 @!p0 s29, $0x7FF  }
0xa1: {  	p1 =	por p0, p1  }
.Ltmp15:
0xa2: {  	_ = 	snop;
	(pc) =	sbr.rel @p1 .LBB2_33-.Ltmp15, $3  }
0xa3: {  	_ =	sdelay $0x1  }
0xa4: {  	s31 =	sand.u32 $0x1, s22  }
0xa5: {  	p0 =	seq.s32 s31, $0x1  }
0xa6: {  	p3 =	sne.s32 s29, $0x7FF  }
.Ltmp16:
0xa7: {  	_ = 	snop;
	(pc) =	sbr.rel @!p3 .LBB2_21-.Ltmp16, $4  }
0xa8: {  	_ = 	snop  }
0xa9: {  	s23 =	simm.s32 $0x8000;
	s22 =	sshll.u32 s0, $0x9  }
0xaa: {  	s24 =	sshll.u32 s0, $0xC;
	s31 =	sshra.s32 s29, $0x1F;
	p2 =	slt.s32 s29, $0x1  }
0xab: {  	s28 =	sadd.s32 $0x1, s29;
	p1 =	por $0x0, $0x0;
	s23 =	simm.s32 @!p0 $0x0  }
0xac: {  	s0 =	sshrl.u32 s31, $0x1B  }
0xad: {  	s0 =	sadd.s32 s0, s29  }
0xae: {  	s2 =	sand.u32 $0xFFFFFFE0, s0  }
0xaf: {  	p3 =	sne.s32 s28, $0x7FF;
	p1 =	sne.s32 s29, s2  }
.Ltmp17:
0xb0: {  	s31 =	sshra.s32 s28, $0x1F;
	p1 =	por !p2, !p1;
	(pc) =	sbr.rel @!p3 .LBB2_29-.Ltmp17, $4  }
0xb1: {  	s30 =	sand.u32 $0xC00, s24;
	s2 =	simm.s32 $0x1;
	p1 =	por !p1, !p1  }
0xb2: {  	s25 =	smov.u32 s22;
	s0 =	sshra.s32 s0, $0x5;
	s2 =	simm.s32 @!p1 $0x0  }
0xb3: {  	s26 =	smov.u32 s24;
	s29 =	sadd.s32 $0x1, s28;
	s0 =	ssub.s32 s0, s2  }
0xb4: {  	p2 =	slt.s32 s28, $0x1;
	p1 =	por $0x1, $0x1;
	s2 =	sshll.u32 s0, $0x9  }
.LBB2_30:
0xb5: {  	s31 =	sshrl.u32 s31, $0x1B  }
0xb6: {  	p3 =	sne.s32 s29, $0x7FF;
	s2 =	sand.u32 $0xFFFFF000, s2;
	s31 =	sadd.s32 s31, s28  }
0xb7: {  	s0 =	sshll.u32 s0, $0x7;
	s2 =	sadd.s32 s2, s23;
	s10 =	sand.u32 $0xFFFFFFE0, s31  }
0xb8: {  	s0 =	sand.u32 $0x380, s0;
	s2 =	sadd.s32 s30, s2;
	p4 =	sne.s32 s28, s10  }
0xb9: {  	s10 =	sand.u32 $0x70, s25;
	s0 =	sadd.s32 s0, s2;
	s25 =	sadd.s32 $0x10, s25  }
.Ltmp18:
0xba: {  	p2 =	por !p2, !p4;
	s0 =	sadd.s32 s10, s0;
	(pc) =	sbr.rel @p3 .LBB2_30-.Ltmp18, $4  }
0xbb: {  	s28 =	smov.u32 s29;
	s2 =	simm.s32 $0x1;
	p2 =	por !p2, !p2;
	[tilespmem:s0+$0x0] =	vst v0  }
0xbc: {  	s26 =	sadd.s32 $0x80, s26;
	s0 =	sshra.s32 s31, $0x5;
	s2 =	simm.s32 @!p2 $0x0  }
0xbd: {  	s31 =	sshra.s32 s29, $0x1F;
	p2 =	slt.s32 s29, $0x1;
	s0 =	ssub.s32 s0, s2  }
0xbe: {  	s30 =	sand.u32 $0xC00, s26;
	s29 =	sadd.s32 $0x1, s29;
	s2 =	sshll.u32 s0, $0x9  }
0xbf: {  	s29 =	smov.u32 s28  }
.LBB2_32:
0xc0: {  	s10 =	sshrl.u32 s31, $0x1B  }
0xc1: {  	s10 =	sadd.s32 s10, s29  }
0xc2: {  	s28 =	sand.u32 $0xFFFFFFE0, s10  }
0xc3: {  	p3 =	sne.s32 s29, s28  }
0xc4: {  	s2 =	sand.u32 @p1 $0xFFFFF000, s2;
	s0 =	sshll.u32 @p1 s0, $0x7;
	p2 =	por !p2, !p3  }
0xc5: {  	s2 =	sadd.s32 @p1 s2, s23;
	s28 =	simm.s32 $0x1;
	p2 =	por !p2, !p2  }
0xc6: {  	s0 =	sand.u32 @p1 $0x380, s0;
	s10 =	sshra.s32 s10, $0x5;
	s28 =	simm.s32 @!p2 $0x0  }
0xc7: {  	s2 =	sadd.s32 @p1 s30, s2;
	s29 =	sand.u32 @p1 $0x70, s25;
	s10 =	ssub.s32 s10, s28  }
0xc8: {  	s0 =	sadd.s32 @p1 s0, s2;
	s2 =	sadd.s32 @p1 $0x80, s26;
	s28 =	sshll.u32 s10, $0x9  }
0xc9: {  	s25 =	sadd.s32 @p1 $0x10, s25;
	s24 =	smov.u32 @p1 s2;
	s30 =	sand.u32 $0xFFFFF000, s28  }
0xca: {  	s24 =	sand.u32 $0xC00, s24;
	s10 =	sshll.u32 s10, $0x7;
	s2 =	sadd.s32 s30, s23  }
0xcb: {  	s22 =	smov.u32 @p1 s25;
	s10 =	sand.u32 $0x380, s10;
	s2 =	sadd.s32 s24, s2  }
0xcc: {  	s0 =	sadd.s32 @p1 s29, s0;
	s22 =	sand.u32 $0x70, s22;
	s2 =	sadd.s32 s10, s2  }
0xcd: {  	[tilespmem:s0+$0x0] =	vst @p1 v0;
	s31 =	sadd.s32 s22, s2  }
0xce: {  	[tilespmem:s31+$0x0] =	vst v0  }
.LBB2_33:
.Ltmp19:
0xcf: {  	(pc) =	sbr.rel @p0 .LBB2_37-.Ltmp19, $4  }
0xd0: {  	_ = 	snop  }
0xd1: {  	s0 =	sor.u32 s21, s6  }
0xd2: {  	s0 =	sshrl.u32 s0, $0x3  }
0xd3: {  	s21 =	sadd.s32 s5, s0;
	s0 =	simm.s32 $0x0  }
0xd4: {  	s2 =	sshra.s32 s0, $0x2;
	s10 =	sadd.s32 s0, s21;
	s0 =	sadd.s32 $0x4000, s0  }
0xd5: {  	[hbm4b:s10+s13] =	stream.strided.scatter [tilespmem:s2], [sflag:$0x2], $0x400, s14, s13, $0x38;
	[tilespmem:$0x18080] =	vst v63  }
0xd6: {  	s22 =	sadd.s32 $0x400, s2;
	s23 =	sadd.s32 $0x80, s10;
	s30 =	sadd.s32 $0x800, s2  }
0xd7: {  	[hbm4b:s23+s13] =	stream.strided.scatter [tilespmem:s22], [sflag:$0x2], $0x400, s14, s13, $0x38;
	[tilespmem:$0x18080] =	vst v63  }
0xd8: {  	s31 =	sadd.s32 $0x100, s10;
	s2 =	sadd.s32 $0xC00, s2;
	s22 =	sadd.s32 $0x180, s10  }
0xd9: {  	[hbm4b:s31+s13] =	stream.strided.scatter [tilespmem:s30], [sflag:$0x2], $0x400, s14, s13, $0x38;
	[tilespmem:$0x18080] =	vst v63  }
.LBB2_35:
0xda: {  	[hbm4b:s22+s13] =	stream.strided.scatter [tilespmem:s2], [sflag:$0x2], $0x400, s14, s13, $0x38;
	[tilespmem:$0x18080] =	vst v63  }
0xdb: {  	s2 =	sshra.s32 s0, $0x2;
	s10 =	sadd.s32 s0, s21;
	p0 =	seq.s32 s0, $0x1C000  }
0xdc: {  	[hbm4b:s10+s13] =	stream.strided.scatter [tilespmem:s2], [sflag:$0x2], $0x400, s14, s13, $0x38;
	[tilespmem:$0x18080] =	vst v63  }
.Ltmp20:
0xdd: {  	s22 =	sadd.s32 $0x400, s2;
	s23 =	sadd.s32 $0x80, s10;
	(pc) =	sbr.rel @!p0 .LBB2_35-.Ltmp20, $4  }
0xde: {  	[hbm4b:s23+s13] =	stream.strided.scatter [tilespmem:s22], [sflag:$0x2], $0x400, s14, s13, $0x38;
	[tilespmem:$0x18080] =	vst v63  }
0xdf: {  	s0 =	sadd.s32 $0x4000, s0;
	s22 =	sadd.s32 $0x800, s2;
	s23 =	sadd.s32 $0x100, s10  }
0xe0: {  	[hbm4b:s23+s13] =	stream.strided.scatter [tilespmem:s22], [sflag:$0x2], $0x400, s14, s13, $0x38;
	[tilespmem:$0x18080] =	vst v63  }
0xe1: {  	s2 =	sadd.s32 $0xC00, s2;
	s22 =	sadd.s32 $0x180, s10  }
.Ltmp21:
0xe2: {  	(pc) =	sbr.rel .LBB2_40-.Ltmp21, $2  }
0xe3: {  	_ =	sdelay $0x2  }
0xe4: {  	[hbm4b:s22+s13] =	stream.strided.scatter [tilespmem:s2], [sflag:$0x2], $0x400, s14, s13, $0x38;
	[tilespmem:$0x18080] =	vst v63  }
.LBB2_37:
0xe5: {  	s10 =	sadd.s32 $0x0, s21;
	s0 =	simm.s32 $0x8000  }
0xe6: {  	s29 =	simm.s32 $0x8400;
	s30 =	simm.s32 $0x8800;
	s23 =	simm.s32 $0x8000  }
0xe7: {  	[hbm4b:s10+s13] =	stream.strided.scatter [tilespmem:s0], [sflag:$0x2], $0x400, s14, s13, $0x38;
	[tilespmem:$0x18080] =	vst v63  }
0xe8: {  	s22 =	sadd.s32 $0x4000, s21;
	s2 =	sadd.s32 $0x80, s10;
	s31 =	sadd.s32 $0x100, s10  }
0xe9: {  	[hbm4b:s2+s13] =	stream.strided.scatter [tilespmem:s29], [sflag:$0x2], $0x400, s14, s13, $0x38;
	[tilespmem:$0x18080] =	vst v63  }
0xea: {  	s0 =	simm.s32 $0x1000;
	s24 =	sadd.s32 $0x180, s10;
	s2 =	simm.s32 $0x8C00  }
0xeb: {  	[hbm4b:s31+s13] =	stream.strided.scatter [tilespmem:s30], [sflag:$0x2], $0x400, s14, s13, $0x38;
	[tilespmem:$0x18080] =	vst v63  }
.LBB2_38:
0xec: {  	[hbm4b:s24+s13] =	stream.strided.scatter [tilespmem:s2], [sflag:$0x2], $0x400, s14, s13, $0x38;
	[tilespmem:$0x18080] =	vst v63  }
0xed: {  	s10 =	smov.u32 s0;
	s25 =	smov.u32 s23;
	p0 =	sne.s32 s23, $0x1C000  }
0xee: {  	s0 =	sadd.s32 $0x8000, s10;
	s24 =	sadd.s32 $0x8400, s10;
	s2 =	sadd.s32 $0x8C00, s10  }
0xef: {  	[hbm4b:s22+s13] =	stream.strided.scatter [tilespmem:s0], [sflag:$0x2], $0x400, s14, s13, $0x38;
	[tilespmem:$0x18080] =	vst v63  }
.Ltmp22:
0xf0: {  	s26 =	sadd.s32 $0x80, s22;
	s0 =	sshra.s32 s23, $0x2;
	(pc) =	sbr.rel @p0 .LBB2_38-.Ltmp22, $4  }
0xf1: {  	[hbm4b:s26+s13] =	stream.strided.scatter [tilespmem:s24], [sflag:$0x2], $0x400, s14, s13, $0x38;
	[tilespmem:$0x18080] =	vst v63  }
0xf2: {  	s10 =	sadd.s32 $0x8800, s10;
	s26 =	sadd.s32 $0x4000, s23;
	s24 =	sadd.s32 $0x100, s22  }
0xf3: {  	[hbm4b:s24+s13] =	stream.strided.scatter [tilespmem:s10], [sflag:$0x2], $0x400, s14, s13, $0x38;
	[tilespmem:$0x18080] =	vst v63  }
0xf4: {  	s23 =	smov.u32 s26;
	s24 =	sadd.s32 $0x180, s22;
	s22 =	sadd.s32 s25, s21  }
0xf5: {  	[hbm4b:s24+s13] =	stream.strided.scatter [tilespmem:s2], [sflag:$0x2], $0x400, s14, s13, $0x38;
	[tilespmem:$0x18080] =	vst v63  }
0xf6: {  	s25 =	sadd.s32 $0x8000, s0  }
0xf7: {  	[hbm4b:s22+s13] =	stream.strided.scatter [tilespmem:s25], [sflag:$0x2], $0x400, s14, s13, $0x38;
	[tilespmem:$0x18080] =	vst v63  }
0xf8: {  	s26 =	sadd.s32 $0x8400, s0;
	s10 =	sadd.s32 $0x80, s22  }
0xf9: {  	[hbm4b:s10+s13] =	stream.strided.scatter [tilespmem:s26], [sflag:$0x2], $0x400, s14, s13, $0x38;
	[tilespmem:$0x18080] =	vst v63  }
.Ltmp23:
0xfa: {  	_ = 	snop;
	(pc) =	sbr.rel .LBB2_40-.Ltmp23, $4  }
0xfb: {  	s28 =	sadd.s32 $0x8800, s0;
	s29 =	sadd.s32 $0x100, s22  }
0xfc: {  	[hbm4b:s29+s13] =	stream.strided.scatter [tilespmem:s28], [sflag:$0x2], $0x400, s14, s13, $0x38;
	[tilespmem:$0x18080] =	vst v63  }
0xfd: {  	s30 =	sadd.s32 $0x8C00, s0;
	s31 =	sadd.s32 $0x180, s22  }
0xfe: {  	[hbm4b:s31+s13] =	stream.strided.scatter [tilespmem:s30], [sflag:$0x2], $0x400, s14, s13, $0x38;
	[tilespmem:$0x18080] =	vst v63  }
.LBB2_21:
.Ltmp24:
0xff: {  	(pc) =	sbr.rel .LBB2_32-.Ltmp24, $2  }
0x100: {  	_ =	sdelay $0x2  }
0x101: {  	s25 =	smov.u32 s22;
	s26 =	smov.u32 s24  }
.LBB2_29:
.Ltmp25:
0x102: {  	(pc) =	sbr.rel .LBB2_32-.Ltmp25, $2  }
0x103: {  	_ =	sdelay $0x2  }
0x104: {  	s29 =	smov.u32 s28;
	s25 =	smov.u32 s22;
	s26 =	smov.u32 s24  }
.LBB2_22:
0x105: {  	p0 =	sgt.s32 s19, $0xF  }
.Ltmp26:
0x106: {  	_ = 	snop;
	(pc) =	sbr.rel @p0 .LBB2_26-.Ltmp26, $1  }
0x107: {  	_ =	sdelay $0x3  }
.LBB2_23:
0x108: {  	s0 =	ssub.s32 $0x10, s19  }
0x109: {  	p0 =	sne.s32 s0, $0x1  }
.Ltmp27:
0x10a: {  	_ = 	snop;
	(pc) =	sbr.rel @!p0 .LBB2_25-.Ltmp27, $3  }
0x10b: {  	_ =	sdelay $0x1  }
0x10c: {  	_ =	swait.ge [sflag:s16], $0x8000  }
0x10d: {  	s0 =	sadd.s32 $0xFFFFFFFF, s0;
	[sflag:s16] =	ssyncset.done $0x0  }
.LBB2_24:
0x10e: {  	p0 =	sne.s32 s0, $0x1;
	s0 =	sadd.s32 $0xFFFFFFFF, s0;
	[sflag:s16] =	ssyncadd.s32 $0xFFFF8000  }
.Ltmp28:
0x10f: {  	(pc) =	sbr.rel @p0 .LBB2_24-.Ltmp28, $3  }
0x110: {  	_ =	sdelay $0x1  }
0x111: {  	_ =	swait.ge [sflag:s16], $0x8000  }
0x112: {  	[sflag:s16] =	ssyncset.done $0x0  }
.Ltmp29:
0x113: {  	_ = 	snop;
	(pc) =	sbr.rel .LBB2_25-.Ltmp29, $1  }
0x114: {  	_ =	sdelay $0x3  }
.LBB2_27:
0x115: {  	_ =	sfence.sel $0x180000  }
0x116: {  	[bflag:$0x0] =	sbarrier.arrive $0xFFFF  }
0x117: {  	_ =	strace $0x90000047  }
0x118: {  	[bflag:$0x2] =	sbarrier.arrive $0xFFFF  }
0x119: {  	p0 =	sne.s32 s4, $0x0;
	s0 =	rddreg [dreg:$0x3]  }
0x11a: {  	s0 =	sadd.s32 @!p0 $0x100000, s0  }
0x11b: {  	[sflag:s0] =	ssyncadd.tile.s32 @!p0 $0x1;
	_ =	shalt  }
.Lfunc_end2:
_tile_overlayer_lowered:
.L_overlay_start_2:
0x11c: {  	(tag) =	ssettag $0x2  }
0x11d: {  	s0 =	rddreg [dreg:$0x0];
	s2 =	stileid.u32  }
0x11e: {  	s1 =	rddreg [dreg:$0x1];
	p0 =	sne.s32 s2, $0x0  }
0x11f: {  	s3 =	rddreg [dreg:$0x2];
	[bflag:$0x3] =	sbarrier.arrive $0xFFFF;
	s2 =	simm.s32 @!p0 $0x1C04  }
0x120: {  	[timem:s3], [sflag:s2] =	dma.local @!p0 [hbm:s0], s1  }
0x121: {  	s0 =	simm.s32 @!p0 $0x4  }
0x122: {  	_ =	swait.ge @!p0 [sflag:s0], s1  }
0x123: {  	s1 =	ssub.s32 @!p0 $0x0, s1;
	[sflag:s0] =	ssyncset.done @!p0 $0x0  }
0x124: {  	[sflag:s0] =	ssyncadd.s32 @!p0 s1  }
0x125: {  	[bflag:$0x3] =	sbarrier.arrive $0xFFFF  }
0x126: {  	_ =	shalt  }

</sc_bundles>
